<compile_context>
chip_gen: v7x
topology: tpu7x:2x2x1
jax: 0.10.2.dev20260603
libtpu: 0.0.44.dev20260713+nightly
codegen_flags: <defaults>
</compile_context>

<pallas_src>
import functools

import jax
import jax.numpy as jnp
from jax import lax
from jax.experimental import pallas as pl
from jax.experimental.pallas import tpu as pltpu
from jax.experimental.pallas import tpu_sc as plsc

N_NODES = 10000
N_PAD = 10240
N_EDGES = 320000
D = 128
NC = 2
NS = 16
NW = NC * NS
E_PER_W = N_EDGES // NW
K = 80
N_CHUNKS = E_PER_W // K
ROWS_PER_TILE = N_PAD // NS


def _seg_sum_kernel(with_counts):
    mesh = plsc.VectorSubcoreMesh(core_axis_name="c", subcore_axis_name="s")
    out_type = [jax.ShapeDtypeStruct((NC, N_PAD, D), jnp.float32)]
    if with_counts:
        out_type.append(jax.ShapeDtypeStruct((NC, N_PAD), jnp.float32))
    scratch = [
        pltpu.VMEM_SHARED((N_PAD, D), jnp.float32),
        pltpu.VMEM((K,), jnp.int32),
        pltpu.VMEM((K,), jnp.int32),
        pltpu.VMEM((K, D), jnp.float32),
        pltpu.SemaphoreType.DMA,
    ]
    if with_counts:
        scratch += [
            pltpu.VMEM_SHARED((N_PAD,), jnp.float32),
            pltpu.VMEM((K,), jnp.float32),
        ]

    @functools.partial(pl.kernel, mesh=mesh, out_type=out_type,
                       scratch_types=scratch)
    def k(x_hbm, src_hbm, dst_hbm, zrow_hbm, zcnt_hbm, *rest):
        if with_counts:
            (out_hbm, cnt_hbm, acc, src_v, dst_v, rows_v, sem,
             cnt_acc, ones_v) = rest
        else:
            out_hbm, acc, src_v, dst_v, rows_v, sem = rest
        c = lax.axis_index("c")
        s = lax.axis_index("s")
        r0 = s * ROWS_PER_TILE
        pltpu.sync_copy(zrow_hbm, acc.at[pl.ds(r0, ROWS_PER_TILE)])
        if with_counts:
            pltpu.sync_copy(zcnt_hbm, cnt_acc.at[pl.ds(r0, ROWS_PER_TILE)])
            for j in range(K // 16):
                ones_v[pl.ds(j * 16, 16)] = jnp.ones((16,), jnp.float32)
        plsc.subcore_barrier()

        ebase = (c * NS + s) * E_PER_W

        def body(i, carry):
            base = ebase + i * K
            pltpu.sync_copy(src_hbm.at[pl.ds(base, K)], src_v)
            pltpu.sync_copy(dst_hbm.at[pl.ds(base, K)], dst_v)
            pltpu.async_copy(x_hbm.at[src_v], rows_v, sem).wait()
            pltpu.sync_copy(rows_v, acc.at[dst_v], add=True)
            if with_counts:
                pltpu.sync_copy(ones_v, cnt_acc.at[dst_v], add=True)
            return carry

        lax.fori_loop(0, N_CHUNKS, body, 0)
        plsc.subcore_barrier()
        pltpu.sync_copy(acc.at[pl.ds(r0, ROWS_PER_TILE)],
                        out_hbm.at[c, pl.ds(r0, ROWS_PER_TILE)])
        if with_counts:
            pltpu.sync_copy(cnt_acc.at[pl.ds(r0, ROWS_PER_TILE)],
                            cnt_hbm.at[c, pl.ds(r0, ROWS_PER_TILE)])

    return k


_seg_sum_cnt = _seg_sum_kernel(True)
_seg_sum = _seg_sum_kernel(False)

_BLK = 1024


def _dense_body(relu, sum_ref, cnt_ref, x_ref, wl_ref, b_ref, wr_ref, o_ref):
    cnt = cnt_ref[0, :] + cnt_ref[1, :]
    ssum = sum_ref[0] + sum_ref[1]
    mean = ssum * (1.0 / jnp.maximum(cnt, 1.0))[:, None]
    dn = (((1,), (1,)), ((), ()))
    y = (lax.dot_general(mean, wl_ref[:], dn,
                         preferred_element_type=jnp.float32)
         + b_ref[0, :]
         + lax.dot_general(x_ref[:], wr_ref[:], dn,
                           preferred_element_type=jnp.float32))
    o_ref[:] = jnp.maximum(y, 0.0) if relu else y


def _dense(summed, cnt, x, wl, b, wr, relu):
    grid = N_PAD // _BLK
    return pl.pallas_call(
        functools.partial(_dense_body, relu),
        grid=(grid,),
        in_specs=[
            pl.BlockSpec((NC, _BLK, D), lambda i: (0, i, 0)),
            pl.BlockSpec((NC, _BLK), lambda i: (0, i)),
            pl.BlockSpec((_BLK, D), lambda i: (i, 0)),
            pl.BlockSpec((D, D), lambda i: (0, 0)),
            pl.BlockSpec((1, D), lambda i: (0, 0)),
            pl.BlockSpec((D, D), lambda i: (0, 0)),
        ],
        out_specs=pl.BlockSpec((_BLK, D), lambda i: (i, 0)),
        out_shape=jax.ShapeDtypeStruct((N_PAD, D), jnp.float32),
    )(summed, cnt, x, wl, b, wr)


def kernel(x, edge_index, W1_l, b1_l, W1_r, W2_l, b2_l, W2_r):
    src = edge_index[0].astype(jnp.int32)
    dst = edge_index[1].astype(jnp.int32)
    x_pad = jnp.pad(x, ((0, N_PAD - N_NODES), (0, 0)))
    zrow = jnp.zeros((ROWS_PER_TILE, D), jnp.float32)
    zcnt = jnp.zeros((ROWS_PER_TILE,), jnp.float32)
    b1 = b1_l.reshape(1, D)
    b2 = b2_l.reshape(1, D)

    summed1, cnt = _seg_sum_cnt(x_pad, src, dst, zrow, zcnt)
    h = _dense(summed1, cnt, x_pad, W1_l, b1, W1_r, relu=True)
    (summed2,) = _seg_sum(h, src, dst, zrow, zcnt)
    out = _dense(summed2, cnt, h, W2_l, b2, W2_r, relu=False)
    return out[:N_NODES]

# --- scband reference (transcript-rebuilt; emitter-appended) ---
"""Pipeline reference for scband-hetero-gnn-17721035063558 (READ-ONLY COPY).

The authoritative reference and input builder live on the scoring server;
editing this copy changes nothing except your own understanding.
"""

import jax, jax.numpy as jnp
import numpy as np

N_NODES = 10000
N_EDGES = 320000
D = 128


def setup_inputs(seed: int = 0) -> dict:
    key = jax.random.key(seed)
    ks = jax.random.split(key, 10)
    x = jax.random.normal(ks[0], (N_NODES, D), dtype=jnp.float32)
    edge_index = jax.random.randint(ks[1], (2, N_EDGES), 0, N_NODES, dtype=jnp.int64)
    # SAGEConv params: lin_l (with bias) applied to mean-aggregated neighbors,
    # lin_r (no bias) applied to root/self features. Two layers, hidden=128.
    s = 1.0 / np.sqrt(D)
    W1_l = jax.random.uniform(ks[2], (D, D), jnp.float32, -s, s)
    b1_l = jax.random.uniform(ks[3], (D,), jnp.float32, -s, s)
    W1_r = jax.random.uniform(ks[4], (D, D), jnp.float32, -s, s)
    W2_l = jax.random.uniform(ks[5], (D, D), jnp.float32, -s, s)
    b2_l = jax.random.uniform(ks[6], (D,), jnp.float32, -s, s)
    W2_r = jax.random.uniform(ks[7], (D, D), jnp.float32, -s, s)
    return {"x": x, "edge_index": edge_index, "W1_l": W1_l, "b1_l": b1_l,
            "W1_r": W1_r, "W2_l": W2_l, "b2_l": b2_l, "W2_r": W2_r}


def _sage_conv(x, src, dst, W_l, b_l, W_r, num_nodes):
    # message: x_j gathered at source nodes
    msgs = jnp.take(x, src, axis=0)
    # mean aggregation over destination nodes
    summed = jax.ops.segment_sum(msgs, dst, num_segments=num_nodes)
    cnt = jax.ops.segment_sum(jnp.ones((src.shape[0],), dtype=x.dtype), dst,
                              num_segments=num_nodes)
    mean = summed / jnp.clip(cnt, 1.0, None)[:, None]
    return mean @ W_l.T + b_l + x @ W_r.T


def reference(x, edge_index, W1_l, b1_l, W1_r, W2_l, b2_l, W2_r):
    src = edge_index[0]
    dst = edge_index[1]
    n = x.shape[0]
    h = _sage_conv(x, src, dst, W1_l, b1_l, W1_r, n)
    h = jax.nn.relu(h)
    # dropout p=0.2 is identity in eval mode
    out = _sage_conv(h, src, dst, W2_l, b2_l, W2_r, n)
    return out

if __name__ == "__main__":
    import jax
    _d = setup_inputs()
    print(jax.jit(kernel)(*tuple(_d.values())))

</pallas_src>

<mosaic_0001>
#map = affine_map<(d0, d1) -> (0, 0)>
#map1 = affine_map<(d0, d1) -> (0)>
#map2 = affine_map<(d0, d1) -> (0, 0, 0)>
module attributes {stable_mosaic.version = 14 : i64} {
  func.func @k(%arg0: i32, %arg1: i32, %arg2: memref<10240x128xf32, #tpu.memory_space<hbm>>, %arg3: memref<320000xi32, #tpu.memory_space<hbm>>, %arg4: memref<320000xi32, #tpu.memory_space<hbm>>, %arg5: memref<640x128xf32, #tpu.memory_space<hbm>>, %arg6: memref<640xf32, #tpu.memory_space<hbm>>, %arg7: memref<2x10240x128xf32, #tpu.memory_space<hbm>>, %arg8: memref<10240x128xf32, #tpu.memory_space<vmem_shared>>, %arg9: memref<80xi32, #tpu.memory_space<vmem>>, %arg10: memref<80xi32, #tpu.memory_space<vmem>>, %arg11: memref<80x128xf32, #tpu.memory_space<vmem>>, %arg12: memref<!tpu.dma_semaphore, #tpu.memory_space<semaphore_mem>>) attributes {dimension_semantics = [#tpu.dimension_semantics<core_parallel>, #tpu.dimension_semantics<subcore_parallel>], iteration_bounds = array<i64: 2, 16>, scalar_prefetch = 0 : i64, scratch_operands = 5 : i64, tpu.core_type = #tpu.core_type<sc_vector_subcore>, window_params = [{transform_indices = #map}, {transform_indices = #map1}, {transform_indices = #map1}, {transform_indices = #map}, {transform_indices = #map1}, {transform_indices = #map2}]} {
    %mul3A = arith.constant 640 : i32
    %mul3A_0 = arith.muli %arg1, %mul3A : i32
    "tpu.region"() ({
      %run_scoped3A = tpu.sem_alloc : memref<!tpu.dma_semaphore, #tpu.memory_space<semaphore_mem>>
      %dma_start3A = arith.constant 0 : i32
      %dma_start3A_11 = tpu.memref_slice %arg8[%mul3A_0, %dma_start3A] : memref<10240x128xf32, #tpu.memory_space<vmem_shared>> -> memref<640x128xf32, #tpu.memory_space<vmem_shared>>
      tpu.enqueue_dma source(%arg5 : memref<640x128xf32, #tpu.memory_space<hbm>>) target(%dma_start3A_11 : memref<640x128xf32, #tpu.memory_space<vmem_shared>>) target_semaphore(%run_scoped3A : memref<!tpu.dma_semaphore, #tpu.memory_space<semaphore_mem>>)
      %dma_wait3A = arith.constant 0 : i32
      %dma_wait3A_12 = tpu.memref_slice %arg8[%mul3A_0, %dma_wait3A] : memref<10240x128xf32, #tpu.memory_space<vmem_shared>> -> memref<640x128xf32, #tpu.memory_space<vmem_shared>>
      tpu.wait_dma2 semaphore(%run_scoped3A : memref<!tpu.dma_semaphore, #tpu.memory_space<semaphore_mem>>) src(%arg5 : memref<640x128xf32, #tpu.memory_space<hbm>>) dst(%dma_wait3A_12 : memref<640x128xf32, #tpu.memory_space<vmem_shared>>)
      tpu.yield
    }) : () -> ()
    %barrier3A = arith.constant 0 : index
    tpu.barrier barrier_id(%barrier3A)
    %mul3A_1 = arith.constant 16 : i32
    %mul3A_2 = arith.muli %arg0, %mul3A_1 : i32
    %add3A = arith.addi %mul3A_2, %arg1 : i32
    %mul3A_3 = arith.constant 10000 : i32
    %mul3A_4 = arith.muli %add3A, %mul3A_3 : i32
    %scan3A = arith.constant 0 : i32
    %scan3A_5 = arith.constant 0 : i32
    %scan3A_6 = arith.constant 125 : i32
    %scan3A_7 = arith.addi %scan3A_5, %scan3A_6 : i32
    %scan3A_8 = arith.constant 1 : i32
    scf.for %scan3A_11 = %scan3A_5 to %scan3A_7 step %scan3A_8  : i32 {
      %mul3A_12 = arith.constant 80 : i32
      %mul3A_13 = arith.muli %scan3A_11, %mul3A_12 : i32
      %add3A_14 = arith.addi %mul3A_4, %mul3A_13 : i32
      "tpu.region"() ({
        %run_scoped3A = tpu.sem_alloc : memref<!tpu.dma_semaphore, #tpu.memory_space<semaphore_mem>>
        %dma_start3A_19 = tpu.memref_slice %arg3[%add3A_14] : memref<320000xi32, #tpu.memory_space<hbm>> -> memref<80xi32, #tpu.memory_space<hbm>>
        %dma_start3A_20 = tpu.memref_slice %arg3[%add3A_14] : memref<320000xi32, #tpu.memory_space<hbm>> -> memref<80xi32, #tpu.memory_space<hbm>>
        tpu.enqueue_dma source(%dma_start3A_20 : memref<80xi32, #tpu.memory_space<hbm>>) target(%arg9 : memref<80xi32, #tpu.memory_space<vmem>>) target_semaphore(%run_scoped3A : memref<!tpu.dma_semaphore, #tpu.memory_space<semaphore_mem>>)
        %dma_wait3A_21 = tpu.memref_slice %arg3[%add3A_14] : memref<320000xi32, #tpu.memory_space<hbm>> -> memref<80xi32, #tpu.memory_space<hbm>>
        %dma_wait3A_22 = tpu.memref_slice %arg3[%add3A_14] : memref<320000xi32, #tpu.memory_space<hbm>> -> memref<80xi32, #tpu.memory_space<hbm>>
        tpu.wait_dma2 semaphore(%run_scoped3A : memref<!tpu.dma_semaphore, #tpu.memory_space<semaphore_mem>>) src(%dma_wait3A_22 : memref<80xi32, #tpu.memory_space<hbm>>) dst(%arg9 : memref<80xi32, #tpu.memory_space<vmem>>)
        tpu.yield
      }) : () -> ()
      "tpu.region"() ({
        %run_scoped3A = tpu.sem_alloc : memref<!tpu.dma_semaphore, #tpu.memory_space<semaphore_mem>>
        %dma_start3A_19 = tpu.memref_slice %arg4[%add3A_14] : memref<320000xi32, #tpu.memory_space<hbm>> -> memref<80xi32, #tpu.memory_space<hbm>>
        %dma_start3A_20 = tpu.memref_slice %arg4[%add3A_14] : memref<320000xi32, #tpu.memory_space<hbm>> -> memref<80xi32, #tpu.memory_space<hbm>>
        tpu.enqueue_dma source(%dma_start3A_20 : memref<80xi32, #tpu.memory_space<hbm>>) target(%arg10 : memref<80xi32, #tpu.memory_space<vmem>>) target_semaphore(%run_scoped3A : memref<!tpu.dma_semaphore, #tpu.memory_space<semaphore_mem>>)
        %dma_wait3A_21 = tpu.memref_slice %arg4[%add3A_14] : memref<320000xi32, #tpu.memory_space<hbm>> -> memref<80xi32, #tpu.memory_space<hbm>>
        %dma_wait3A_22 = tpu.memref_slice %arg4[%add3A_14] : memref<320000xi32, #tpu.memory_space<hbm>> -> memref<80xi32, #tpu.memory_space<hbm>>
        tpu.wait_dma2 semaphore(%run_scoped3A : memref<!tpu.dma_semaphore, #tpu.memory_space<semaphore_mem>>) src(%dma_wait3A_22 : memref<80xi32, #tpu.memory_space<hbm>>) dst(%arg10 : memref<80xi32, #tpu.memory_space<vmem>>)
        tpu.yield
      }) : () -> ()
      %dma_start3A = arith.constant 0 : i32
      %dma_start3A_15 = arith.constant 0 : i32
      %dma_start3A_16 = tpu.memref_slice %arg2[%dma_start3A, %dma_start3A_15] : memref<10240x128xf32, #tpu.memory_space<hbm>> -> memref<10240x128xf32, #tpu.memory_space<hbm>>
      tpu.enqueue_indirect_dma source(%dma_start3A_16 : memref<10240x128xf32, #tpu.memory_space<hbm>>) target(%arg11 : memref<80x128xf32, #tpu.memory_space<vmem>>) offsets(%arg9 : memref<80xi32, #tpu.memory_space<vmem>>) semaphore(%arg12 : memref<!tpu.dma_semaphore, #tpu.memory_space<semaphore_mem>>)
      %dma_wait3A = arith.constant 0 : i32
      %dma_wait3A_17 = arith.constant 0 : i32
      %dma_wait3A_18 = tpu.memref_slice %arg2[%dma_wait3A, %dma_wait3A_17] : memref<10240x128xf32, #tpu.memory_space<hbm>> -> memref<10240x128xf32, #tpu.memory_space<hbm>>
      tpu.wait_indirect_dma semaphore(%arg12 : memref<!tpu.dma_semaphore, #tpu.memory_space<semaphore_mem>>) src(%dma_wait3A_18 : memref<10240x128xf32, #tpu.memory_space<hbm>>) dst(%arg11 : memref<80x128xf32, #tpu.memory_space<vmem>>)
      "tpu.region"() ({
        %run_scoped3A = tpu.sem_alloc : memref<!tpu.dma_semaphore, #tpu.memory_space<semaphore_mem>>
        %dma_start3A_19 = arith.constant 0 : i32
        %dma_start3A_20 = arith.constant 0 : i32
        %dma_start3A_21 = tpu.memref_slice %arg8[%dma_start3A_19, %dma_start3A_20] : memref<10240x128xf32, #tpu.memory_space<vmem_shared>> -> memref<10240x128xf32, #tpu.memory_space<vmem_shared>>
        tpu.enqueue_indirect_dma source(%arg11 : memref<80x128xf32, #tpu.memory_space<vmem>>) target(%dma_start3A_21 : memref<10240x128xf32, #tpu.memory_space<vmem_shared>>) offsets(%arg10 : memref<80xi32, #tpu.memory_space<vmem>>) semaphore(%run_scoped3A : memref<!tpu.dma_semaphore, #tpu.memory_space<semaphore_mem>>) {add = true}
        %dma_wait3A_22 = arith.constant 0 : i32
        %dma_wait3A_23 = arith.constant 0 : i32
        %dma_wait3A_24 = tpu.memref_slice %arg8[%dma_wait3A_22, %dma_wait3A_23] : memref<10240x128xf32, #tpu.memory_space<vmem_shared>> -> memref<10240x128xf32, #tpu.memory_space<vmem_shared>>
        tpu.wait_indirect_dma semaphore(%run_scoped3A : memref<!tpu.dma_semaphore, #tpu.memory_space<semaphore_mem>>) src(%arg11 : memref<80x128xf32, #tpu.memory_space<vmem>>) dst(%dma_wait3A_24 : memref<10240x128xf32, #tpu.memory_space<vmem_shared>>)
        tpu.yield
      }) : () -> ()
    }
    %scan3A_9 = arith.constant 125 : i32
    %barrier3A_10 = arith.constant 0 : index
    tpu.barrier barrier_id(%barrier3A_10)
    "tpu.region"() ({
      %run_scoped3A = tpu.sem_alloc : memref<!tpu.dma_semaphore, #tpu.memory_space<semaphore_mem>>
      %dma_start3A = arith.constant 0 : i32
      %dma_start3A_11 = tpu.memref_slice %arg7[%arg0, %mul3A_0, %dma_start3A] : memref<2x10240x128xf32, #tpu.memory_space<hbm>> -> memref<1x640x128xf32, #tpu.memory_space<hbm>>
      %dma_start3A_12 = tpu.memref_squeeze %dma_start3A_11 : memref<1x640x128xf32, #tpu.memory_space<hbm>> -> memref<640x128xf32, #tpu.memory_space<hbm>>
      %dma_start3A_13 = arith.constant 0 : i32
      %dma_start3A_14 = tpu.memref_slice %arg8[%mul3A_0, %dma_start3A_13] : memref<10240x128xf32, #tpu.memory_space<vmem_shared>> -> memref<640x128xf32, #tpu.memory_space<vmem_shared>>
      tpu.enqueue_dma source(%dma_start3A_14 : memref<640x128xf32, #tpu.memory_space<vmem_shared>>) target(%dma_start3A_12 : memref<640x128xf32, #tpu.memory_space<hbm>>) target_semaphore(%run_scoped3A : memref<!tpu.dma_semaphore, #tpu.memory_space<semaphore_mem>>)
      %dma_wait3A = arith.constant 0 : i32
      %dma_wait3A_15 = tpu.memref_slice %arg7[%arg0, %mul3A_0, %dma_wait3A] : memref<2x10240x128xf32, #tpu.memory_space<hbm>> -> memref<1x640x128xf32, #tpu.memory_space<hbm>>
      %dma_wait3A_16 = tpu.memref_squeeze %dma_wait3A_15 : memref<1x640x128xf32, #tpu.memory_space<hbm>> -> memref<640x128xf32, #tpu.memory_space<hbm>>
      %dma_wait3A_17 = arith.constant 0 : i32
      %dma_wait3A_18 = tpu.memref_slice %arg8[%mul3A_0, %dma_wait3A_17] : memref<10240x128xf32, #tpu.memory_space<vmem_shared>> -> memref<640x128xf32, #tpu.memory_space<vmem_shared>>
      tpu.wait_dma2 semaphore(%run_scoped3A : memref<!tpu.dma_semaphore, #tpu.memory_space<semaphore_mem>>) src(%dma_wait3A_18 : memref<640x128xf32, #tpu.memory_space<vmem_shared>>) dst(%dma_wait3A_16 : memref<640x128xf32, #tpu.memory_space<hbm>>)
      tpu.yield
    }) : () -> ()
    return
  }
}

#map = affine_map<(d0, d1) -> (0, 0)>
#map1 = affine_map<(d0, d1) -> (0)>
#map2 = affine_map<(d0, d1) -> (0, 0, 0)>
module attributes {stable_mosaic.version = 14 : i64} {
  func.func @k(%arg0: i32, %arg1: i32, %arg2: memref<10240x128xf32, #tpu.memory_space<hbm>>, %arg3: memref<320000xi32, #tpu.memory_space<hbm>>, %arg4: memref<320000xi32, #tpu.memory_space<hbm>>, %arg5: memref<640x128xf32, #tpu.memory_space<hbm>>, %arg6: memref<640xf32, #tpu.memory_space<hbm>>, %arg7: memref<2x10240x128xf32, #tpu.memory_space<hbm>>, %arg8: memref<2x10240xf32, #tpu.memory_space<hbm>>, %arg9: memref<10240x128xf32, #tpu.memory_space<vmem_shared>>, %arg10: memref<80xi32, #tpu.memory_space<vmem>>, %arg11: memref<80xi32, #tpu.memory_space<vmem>>, %arg12: memref<80x128xf32, #tpu.memory_space<vmem>>, %arg13: memref<!tpu.dma_semaphore, #tpu.memory_space<semaphore_mem>>, %arg14: memref<10240xf32, #tpu.memory_space<vmem_shared>>, %arg15: memref<80xf32, #tpu.memory_space<vmem>>) attributes {dimension_semantics = [#tpu.dimension_semantics<core_parallel>, #tpu.dimension_semantics<subcore_parallel>], iteration_bounds = array<i64: 2, 16>, scalar_prefetch = 0 : i64, scratch_operands = 7 : i64, tpu.core_type = #tpu.core_type<sc_vector_subcore>, window_params = [{transform_indices = #map}, {transform_indices = #map1}, {transform_indices = #map1}, {transform_indices = #map}, {transform_indices = #map1}, {transform_indices = #map2}, {transform_indices = #map}]} {
    %mul3A = arith.constant 640 : i32
    %mul3A_0 = arith.muli %arg1, %mul3A : i32
    "tpu.region"() ({
      %run_scoped3A = tpu.sem_alloc : memref<!tpu.dma_semaphore, #tpu.memory_space<semaphore_mem>>
      %dma_start3A = arith.constant 0 : i32
      %dma_start3A_39 = tpu.memref_slice %arg9[%mul3A_0, %dma_start3A] : memref<10240x128xf32, #tpu.memory_space<vmem_shared>> -> memref<640x128xf32, #tpu.memory_space<vmem_shared>>
      tpu.enqueue_dma source(%arg5 : memref<640x128xf32, #tpu.memory_space<hbm>>) target(%dma_start3A_39 : memref<640x128xf32, #tpu.memory_space<vmem_shared>>) target_semaphore(%run_scoped3A : memref<!tpu.dma_semaphore, #tpu.memory_space<semaphore_mem>>)
      %dma_wait3A = arith.constant 0 : i32
      %dma_wait3A_40 = tpu.memref_slice %arg9[%mul3A_0, %dma_wait3A] : memref<10240x128xf32, #tpu.memory_space<vmem_shared>> -> memref<640x128xf32, #tpu.memory_space<vmem_shared>>
      tpu.wait_dma2 semaphore(%run_scoped3A : memref<!tpu.dma_semaphore, #tpu.memory_space<semaphore_mem>>) src(%arg5 : memref<640x128xf32, #tpu.memory_space<hbm>>) dst(%dma_wait3A_40 : memref<640x128xf32, #tpu.memory_space<vmem_shared>>)
      tpu.yield
    }) : () -> ()
    "tpu.region"() ({
      %run_scoped3A = tpu.sem_alloc : memref<!tpu.dma_semaphore, #tpu.memory_space<semaphore_mem>>
      %dma_start3A = tpu.memref_slice %arg14[%mul3A_0] : memref<10240xf32, #tpu.memory_space<vmem_shared>> -> memref<640xf32, #tpu.memory_space<vmem_shared>>
      tpu.enqueue_dma source(%arg6 : memref<640xf32, #tpu.memory_space<hbm>>) target(%dma_start3A : memref<640xf32, #tpu.memory_space<vmem_shared>>) target_semaphore(%run_scoped3A : memref<!tpu.dma_semaphore, #tpu.memory_space<semaphore_mem>>)
      %dma_wait3A = tpu.memref_slice %arg14[%mul3A_0] : memref<10240xf32, #tpu.memory_space<vmem_shared>> -> memref<640xf32, #tpu.memory_space<vmem_shared>>
      tpu.wait_dma2 semaphore(%run_scoped3A : memref<!tpu.dma_semaphore, #tpu.memory_space<semaphore_mem>>) src(%arg6 : memref<640xf32, #tpu.memory_space<hbm>>) dst(%dma_wait3A : memref<640xf32, #tpu.memory_space<vmem_shared>>)
      tpu.yield
    }) : () -> ()
    %broadcast_in_dim3A = arith.constant 1.000000e+00 : f32
    %broadcast_in_dim3A_1 = vector.broadcast %broadcast_in_dim3A : f32 to vector<16xf32>
    %swap3A = arith.constant 0 : index
    %swap3A_2 = tpu.vector_load %arg15[%swap3A] {strides = array<i32>} : memref<80xf32, #tpu.memory_space<vmem>>, vector<16xf32>,
    %swap3A_3 = vector.shape_cast %swap3A_2 : vector<16xf32> to vector<16xf32>
    %swap3A_4 = vector.shape_cast %broadcast_in_dim3A_1 : vector<16xf32> to vector<16xf32>
    tpu.vector_store %arg15[%swap3A], %swap3A_4 {strides = array<i32>} : memref<80xf32, #tpu.memory_space<vmem>>, vector<16xf32>,
    %broadcast_in_dim3A_5 = arith.constant 1.000000e+00 : f32
    %broadcast_in_dim3A_6 = vector.broadcast %broadcast_in_dim3A_5 : f32 to vector<16xf32>
    %swap3A_7 = arith.constant 16 : index
    %swap3A_8 = tpu.vector_load %arg15[%swap3A_7] {strides = array<i32>} : memref<80xf32, #tpu.memory_space<vmem>>, vector<16xf32>,
    %swap3A_9 = vector.shape_cast %swap3A_8 : vector<16xf32> to vector<16xf32>
    %swap3A_10 = vector.shape_cast %broadcast_in_dim3A_6 : vector<16xf32> to vector<16xf32>
    tpu.vector_store %arg15[%swap3A_7], %swap3A_10 {strides = array<i32>} : memref<80xf32, #tpu.memory_space<vmem>>, vector<16xf32>,
    %broadcast_in_dim3A_11 = arith.constant 1.000000e+00 : f32
    %broadcast_in_dim3A_12 = vector.broadcast %broadcast_in_dim3A_11 : f32 to vector<16xf32>
    %swap3A_13 = arith.constant 32 : index
    %swap3A_14 = tpu.vector_load %arg15[%swap3A_13] {strides = array<i32>} : memref<80xf32, #tpu.memory_space<vmem>>, vector<16xf32>,
    %swap3A_15 = vector.shape_cast %swap3A_14 : vector<16xf32> to vector<16xf32>
    %swap3A_16 = vector.shape_cast %broadcast_in_dim3A_12 : vector<16xf32> to vector<16xf32>
    tpu.vector_store %arg15[%swap3A_13], %swap3A_16 {strides = array<i32>} : memref<80xf32, #tpu.memory_space<vmem>>, vector<16xf32>,
    %broadcast_in_dim3A_17 = arith.constant 1.000000e+00 : f32
    %broadcast_in_dim3A_18 = vector.broadcast %broadcast_in_dim3A_17 : f32 to vector<16xf32>
    %swap3A_19 = arith.constant 48 : index
    %swap3A_20 = tpu.vector_load %arg15[%swap3A_19] {strides = array<i32>} : memref<80xf32, #tpu.memory_space<vmem>>, vector<16xf32>,
    %swap3A_21 = vector.shape_cast %swap3A_20 : vector<16xf32> to vector<16xf32>
    %swap3A_22 = vector.shape_cast %broadcast_in_dim3A_18 : vector<16xf32> to vector<16xf32>
    tpu.vector_store %arg15[%swap3A_19], %swap3A_22 {strides = array<i32>} : memref<80xf32, #tpu.memory_space<vmem>>, vector<16xf32>,
    %broadcast_in_dim3A_23 = arith.constant 1.000000e+00 : f32
    %broadcast_in_dim3A_24 = vector.broadcast %broadcast_in_dim3A_23 : f32 to vector<16xf32>
    %swap3A_25 = arith.constant 64 : index
    %swap3A_26 = tpu.vector_load %arg15[%swap3A_25] {strides = array<i32>} : memref<80xf32, #tpu.memory_space<vmem>>, vector<16xf32>,
    %swap3A_27 = vector.shape_cast %swap3A_26 : vector<16xf32> to vector<16xf32>
    %swap3A_28 = vector.shape_cast %broadcast_in_dim3A_24 : vector<16xf32> to vector<16xf32>
    tpu.vector_store %arg15[%swap3A_25], %swap3A_28 {strides = array<i32>} : memref<80xf32, #tpu.memory_space<vmem>>, vector<16xf32>,
    %barrier3A = arith.constant 0 : index
    tpu.barrier barrier_id(%barrier3A)
    %mul3A_29 = arith.constant 16 : i32
    %mul3A_30 = arith.muli %arg0, %mul3A_29 : i32
    %add3A = arith.addi %mul3A_30, %arg1 : i32
    %mul3A_31 = arith.constant 10000 : i32
    %mul3A_32 = arith.muli %add3A, %mul3A_31 : i32
    %scan3A = arith.constant 0 : i32
    %scan3A_33 = arith.constant 0 : i32
    %scan3A_34 = arith.constant 125 : i32
    %scan3A_35 = arith.addi %scan3A_33, %scan3A_34 : i32
    %scan3A_36 = arith.constant 1 : i32
    scf.for %scan3A_39 = %scan3A_33 to %scan3A_35 step %scan3A_36  : i32 {
      %mul3A_40 = arith.constant 80 : i32
      %mul3A_41 = arith.muli %scan3A_39, %mul3A_40 : i32
      %add3A_42 = arith.addi %mul3A_32, %mul3A_41 : i32
      "tpu.region"() ({
        %run_scoped3A = tpu.sem_alloc : memref<!tpu.dma_semaphore, #tpu.memory_space<semaphore_mem>>
        %dma_start3A_47 = tpu.memref_slice %arg3[%add3A_42] : memref<320000xi32, #tpu.memory_space<hbm>> -> memref<80xi32, #tpu.memory_space<hbm>>
        %dma_start3A_48 = tpu.memref_slice %arg3[%add3A_42] : memref<320000xi32, #tpu.memory_space<hbm>> -> memref<80xi32, #tpu.memory_space<hbm>>
        tpu.enqueue_dma source(%dma_start3A_48 : memref<80xi32, #tpu.memory_space<hbm>>) target(%arg10 : memref<80xi32, #tpu.memory_space<vmem>>) target_semaphore(%run_scoped3A : memref<!tpu.dma_semaphore, #tpu.memory_space<semaphore_mem>>)
        %dma_wait3A_49 = tpu.memref_slice %arg3[%add3A_42] : memref<320000xi32, #tpu.memory_space<hbm>> -> memref<80xi32, #tpu.memory_space<hbm>>
        %dma_wait3A_50 = tpu.memref_slice %arg3[%add3A_42] : memref<320000xi32, #tpu.memory_space<hbm>> -> memref<80xi32, #tpu.memory_space<hbm>>
        tpu.wait_dma2 semaphore(%run_scoped3A : memref<!tpu.dma_semaphore, #tpu.memory_space<semaphore_mem>>) src(%dma_wait3A_50 : memref<80xi32, #tpu.memory_space<hbm>>) dst(%arg10 : memref<80xi32, #tpu.memory_space<vmem>>)
        tpu.yield
      }) : () -> ()
      "tpu.region"() ({
        %run_scoped3A = tpu.sem_alloc : memref<!tpu.dma_semaphore, #tpu.memory_space<semaphore_mem>>
        %dma_start3A_47 = tpu.memref_slice %arg4[%add3A_42] : memref<320000xi32, #tpu.memory_space<hbm>> -> memref<80xi32, #tpu.memory_space<hbm>>
        %dma_start3A_48 = tpu.memref_slice %arg4[%add3A_42] : memref<320000xi32, #tpu.memory_space<hbm>> -> memref<80xi32, #tpu.memory_space<hbm>>
        tpu.enqueue_dma source(%dma_start3A_48 : memref<80xi32, #tpu.memory_space<hbm>>) target(%arg11 : memref<80xi32, #tpu.memory_space<vmem>>) target_semaphore(%run_scoped3A : memref<!tpu.dma_semaphore, #tpu.memory_space<semaphore_mem>>)
        %dma_wait3A_49 = tpu.memref_slice %arg4[%add3A_42] : memref<320000xi32, #tpu.memory_space<hbm>> -> memref<80xi32, #tpu.memory_space<hbm>>
        %dma_wait3A_50 = tpu.memref_slice %arg4[%add3A_42] : memref<320000xi32, #tpu.memory_space<hbm>> -> memref<80xi32, #tpu.memory_space<hbm>>
        tpu.wait_dma2 semaphore(%run_scoped3A : memref<!tpu.dma_semaphore, #tpu.memory_space<semaphore_mem>>) src(%dma_wait3A_50 : memref<80xi32, #tpu.memory_space<hbm>>) dst(%arg11 : memref<80xi32, #tpu.memory_space<vmem>>)
        tpu.yield
      }) : () -> ()
      %dma_start3A = arith.constant 0 : i32
      %dma_start3A_43 = arith.constant 0 : i32
      %dma_start3A_44 = tpu.memref_slice %arg2[%dma_start3A, %dma_start3A_43] : memref<10240x128xf32, #tpu.memory_space<hbm>> -> memref<10240x128xf32, #tpu.memory_space<hbm>>
      tpu.enqueue_indirect_dma source(%dma_start3A_44 : memref<10240x128xf32, #tpu.memory_space<hbm>>) target(%arg12 : memref<80x128xf32, #tpu.memory_space<vmem>>) offsets(%arg10 : memref<80xi32, #tpu.memory_space<vmem>>) semaphore(%arg13 : memref<!tpu.dma_semaphore, #tpu.memory_space<semaphore_mem>>)
      %dma_wait3A = arith.constant 0 : i32
      %dma_wait3A_45 = arith.constant 0 : i32
      %dma_wait3A_46 = tpu.memref_slice %arg2[%dma_wait3A, %dma_wait3A_45] : memref<10240x128xf32, #tpu.memory_space<hbm>> -> memref<10240x128xf32, #tpu.memory_space<hbm>>
      tpu.wait_indirect_dma semaphore(%arg13 : memref<!tpu.dma_semaphore, #tpu.memory_space<semaphore_mem>>) src(%dma_wait3A_46 : memref<10240x128xf32, #tpu.memory_space<hbm>>) dst(%arg12 : memref<80x128xf32, #tpu.memory_space<vmem>>)
      "tpu.region"() ({
        %run_scoped3A = tpu.sem_alloc : memref<!tpu.dma_semaphore, #tpu.memory_space<semaphore_mem>>
        %dma_start3A_47 = arith.constant 0 : i32
        %dma_start3A_48 = arith.constant 0 : i32
        %dma_start3A_49 = tpu.memref_slice %arg9[%dma_start3A_47, %dma_start3A_48] : memref<10240x128xf32, #tpu.memory_space<vmem_shared>> -> memref<10240x128xf32, #tpu.memory_space<vmem_shared>>
        tpu.enqueue_indirect_dma source(%arg12 : memref<80x128xf32, #tpu.memory_space<vmem>>) target(%dma_start3A_49 : memref<10240x128xf32, #tpu.memory_space<vmem_shared>>) offsets(%arg11 : memref<80xi32, #tpu.memory_space<vmem>>) semaphore(%run_scoped3A : memref<!tpu.dma_semaphore, #tpu.memory_space<semaphore_mem>>) {add = true}
        %dma_wait3A_50 = arith.constant 0 : i32
        %dma_wait3A_51 = arith.constant 0 : i32
        %dma_wait3A_52 = tpu.memref_slice %arg9[%dma_wait3A_50, %dma_wait3A_51] : memref<10240x128xf32, #tpu.memory_space<vmem_shared>> -> memref<10240x128xf32, #tpu.memory_space<vmem_shared>>
        tpu.wait_indirect_dma semaphore(%run_scoped3A : memref<!tpu.dma_semaphore, #tpu.memory_space<semaphore_mem>>) src(%arg12 : memref<80x128xf32, #tpu.memory_space<vmem>>) dst(%dma_wait3A_52 : memref<10240x128xf32, #tpu.memory_space<vmem_shared>>)
        tpu.yield
      }) : () -> ()
      "tpu.region"() ({
        %run_scoped3A = tpu.sem_alloc : memref<!tpu.dma_semaphore, #tpu.memory_space<semaphore_mem>>
        %dma_start3A_47 = arith.constant 0 : i32
        %dma_start3A_48 = tpu.memref_slice %arg14[%dma_start3A_47] : memref<10240xf32, #tpu.memory_space<vmem_shared>> -> memref<10240xf32, #tpu.memory_space<vmem_shared>>
        tpu.enqueue_indirect_dma source(%arg15 : memref<80xf32, #tpu.memory_space<vmem>>) target(%dma_start3A_48 : memref<10240xf32, #tpu.memory_space<vmem_shared>>) offsets(%arg11 : memref<80xi32, #tpu.memory_space<vmem>>) semaphore(%run_scoped3A : memref<!tpu.dma_semaphore, #tpu.memory_space<semaphore_mem>>) {add = true}
        %dma_wait3A_49 = arith.constant 0 : i32
        %dma_wait3A_50 = tpu.memref_slice %arg14[%dma_wait3A_49] : memref<10240xf32, #tpu.memory_space<vmem_shared>> -> memref<10240xf32, #tpu.memory_space<vmem_shared>>
        tpu.wait_indirect_dma semaphore(%run_scoped3A : memref<!tpu.dma_semaphore, #tpu.memory_space<semaphore_mem>>) src(%arg15 : memref<80xf32, #tpu.memory_space<vmem>>) dst(%dma_wait3A_50 : memref<10240xf32, #tpu.memory_space<vmem_shared>>)
        tpu.yield
      }) : () -> ()
    }
    %scan3A_37 = arith.constant 125 : i32
    %barrier3A_38 = arith.constant 0 : index
    tpu.barrier barrier_id(%barrier3A_38)
    "tpu.region"() ({
      %run_scoped3A = tpu.sem_alloc : memref<!tpu.dma_semaphore, #tpu.memory_space<semaphore_mem>>
      %dma_start3A = arith.constant 0 : i32
      %dma_start3A_39 = tpu.memref_slice %arg7[%arg0, %mul3A_0, %dma_start3A] : memref<2x10240x128xf32, #tpu.memory_space<hbm>> -> memref<1x640x128xf32, #tpu.memory_space<hbm>>
      %dma_start3A_40 = tpu.memref_squeeze %dma_start3A_39 : memref<1x640x128xf32, #tpu.memory_space<hbm>> -> memref<640x128xf32, #tpu.memory_space<hbm>>
      %dma_start3A_41 = arith.constant 0 : i32
      %dma_start3A_42 = tpu.memref_slice %arg9[%mul3A_0, %dma_start3A_41] : memref<10240x128xf32, #tpu.memory_space<vmem_shared>> -> memref<640x128xf32, #tpu.memory_space<vmem_shared>>
      tpu.enqueue_dma source(%dma_start3A_42 : memref<640x128xf32, #tpu.memory_space<vmem_shared>>) target(%dma_start3A_40 : memref<640x128xf32, #tpu.memory_space<hbm>>) target_semaphore(%run_scoped3A : memref<!tpu.dma_semaphore, #tpu.memory_space<semaphore_mem>>)
      %dma_wait3A = arith.constant 0 : i32
      %dma_wait3A_43 = tpu.memref_slice %arg7[%arg0, %mul3A_0, %dma_wait3A] : memref<2x10240x128xf32, #tpu.memory_space<hbm>> -> memref<1x640x128xf32, #tpu.memory_space<hbm>>
      %dma_wait3A_44 = tpu.memref_squeeze %dma_wait3A_43 : memref<1x640x128xf32, #tpu.memory_space<hbm>> -> memref<640x128xf32, #tpu.memory_space<hbm>>
      %dma_wait3A_45 = arith.constant 0 : i32
      %dma_wait3A_46 = tpu.memref_slice %arg9[%mul3A_0, %dma_wait3A_45] : memref<10240x128xf32, #tpu.memory_space<vmem_shared>> -> memref<640x128xf32, #tpu.memory_space<vmem_shared>>
      tpu.wait_dma2 semaphore(%run_scoped3A : memref<!tpu.dma_semaphore, #tpu.memory_space<semaphore_mem>>) src(%dma_wait3A_46 : memref<640x128xf32, #tpu.memory_space<vmem_shared>>) dst(%dma_wait3A_44 : memref<640x128xf32, #tpu.memory_space<hbm>>)
      tpu.yield
    }) : () -> ()
    "tpu.region"() ({
      %run_scoped3A = tpu.sem_alloc : memref<!tpu.dma_semaphore, #tpu.memory_space<semaphore_mem>>
      %dma_start3A = tpu.memref_slice %arg8[%arg0, %mul3A_0] : memref<2x10240xf32, #tpu.memory_space<hbm>> -> memref<1x640xf32, #tpu.memory_space<hbm>>
      %dma_start3A_39 = tpu.memref_squeeze %dma_start3A : memref<1x640xf32, #tpu.memory_space<hbm>> -> memref<640xf32, #tpu.memory_space<hbm>>
      %dma_start3A_40 = tpu.memref_slice %arg14[%mul3A_0] : memref<10240xf32, #tpu.memory_space<vmem_shared>> -> memref<640xf32, #tpu.memory_space<vmem_shared>>
      tpu.enqueue_dma source(%dma_start3A_40 : memref<640xf32, #tpu.memory_space<vmem_shared>>) target(%dma_start3A_39 : memref<640xf32, #tpu.memory_space<hbm>>) target_semaphore(%run_scoped3A : memref<!tpu.dma_semaphore, #tpu.memory_space<semaphore_mem>>)
      %dma_wait3A = tpu.memref_slice %arg8[%arg0, %mul3A_0] : memref<2x10240xf32, #tpu.memory_space<hbm>> -> memref<1x640xf32, #tpu.memory_space<hbm>>
      %dma_wait3A_41 = tpu.memref_squeeze %dma_wait3A : memref<1x640xf32, #tpu.memory_space<hbm>> -> memref<640xf32, #tpu.memory_space<hbm>>
      %dma_wait3A_42 = tpu.memref_slice %arg14[%mul3A_0] : memref<10240xf32, #tpu.memory_space<vmem_shared>> -> memref<640xf32, #tpu.memory_space<vmem_shared>>
      tpu.wait_dma2 semaphore(%run_scoped3A : memref<!tpu.dma_semaphore, #tpu.memory_space<semaphore_mem>>) src(%dma_wait3A_42 : memref<640xf32, #tpu.memory_space<vmem_shared>>) dst(%dma_wait3A_41 : memref<640xf32, #tpu.memory_space<hbm>>)
      tpu.yield
    }) : () -> ()
    return
  }
}

module attributes {stable_mosaic.version = 14 : i64} {
  func.func @_dense_body(%arg0: i32, %arg1: memref<2x1024x128xf32, #tpu.memory_space<vmem>>, %arg2: memref<2x1024xf32, #tpu.memory_space<vmem>>, %arg3: memref<1024x128xf32, #tpu.memory_space<vmem>>, %arg4: memref<128x128xf32, #tpu.memory_space<vmem>>, %arg5: memref<1x128xf32, #tpu.memory_space<vmem>>, %arg6: memref<128x128xf32, #tpu.memory_space<vmem>>, %arg7: memref<1024x128xf32, #tpu.memory_space<vmem>>) attributes {dimension_semantics = [#tpu.dimension_semantics<arbitrary>], iteration_bounds = array<i64: 10>, scalar_prefetch = 0 : i64, scratch_operands = 0 : i64, tpu.core_type = #tpu.core_type<tc>, window_params = [{transform_indices = @transform_0, window_bounds = array<i64: 2, 1024, 128>}, {transform_indices = @transform_1, window_bounds = array<i64: 2, 1024>}, {transform_indices = @transform_2, window_bounds = array<i64: 1024, 128>}, {pipeline_mode = #tpu.pipeline_mode<synchronous>, transform_indices = @transform_3, window_bounds = array<i64: 128, 128>}, {pipeline_mode = #tpu.pipeline_mode<synchronous>, transform_indices = @transform_4, window_bounds = array<i64: 1, 128>}, {pipeline_mode = #tpu.pipeline_mode<synchronous>, transform_indices = @transform_5, window_bounds = array<i64: 128, 128>}, {transform_indices = @transform_6, window_bounds = array<i64: 1024, 128>}]} {
    %get3A = arith.constant 0 : index
    %get3A_0 = arith.constant 0 : index
    %get3A_1 = vector.load %arg2[%get3A, %get3A_0] : memref<2x1024xf32, #tpu.memory_space<vmem>>, vector<1x1024xf32>
    %get3A_2 = vector.shape_cast %get3A_1 : vector<1x1024xf32> to vector<1024xf32>
    %get3A_3 = arith.constant 1 : index
    %get3A_4 = arith.constant 0 : index
    %get3A_5 = vector.load %arg2[%get3A_3, %get3A_4] : memref<2x1024xf32, #tpu.memory_space<vmem>>, vector<1x1024xf32>
    %get3A_6 = vector.shape_cast %get3A_5 : vector<1x1024xf32> to vector<1024xf32>
    %add3A = arith.addf %get3A_2, %get3A_6 : vector<1024xf32>
    %get3A_7 = arith.constant 0 : index
    %get3A_8 = arith.constant 0 : index
    %get3A_9 = arith.constant 0 : index
    %get3A_10 = vector.load %arg1[%get3A_7, %get3A_8, %get3A_9] : memref<2x1024x128xf32, #tpu.memory_space<vmem>>, vector<1x1024x128xf32>
    %get3A_11 = vector.shape_cast %get3A_10 : vector<1x1024x128xf32> to vector<1024x128xf32>
    %get3A_12 = arith.constant 1 : index
    %get3A_13 = arith.constant 0 : index
    %get3A_14 = arith.constant 0 : index
    %get3A_15 = vector.load %arg1[%get3A_12, %get3A_13, %get3A_14] : memref<2x1024x128xf32, #tpu.memory_space<vmem>>, vector<1x1024x128xf32>
    %get3A_16 = vector.shape_cast %get3A_15 : vector<1x1024x128xf32> to vector<1024x128xf32>
    %add3A_17 = arith.addf %get3A_11, %get3A_16 : vector<1024x128xf32>
    %max3A = arith.constant 1.000000e+00 : f32
    %max3A_18 = vector.broadcast %max3A : f32 to vector<1024xf32>
    %max3A_19 = arith.maximumf %add3A, %max3A_18 : vector<1024xf32>
    %div3A = arith.constant 1.000000e+00 : f32
    %div3A_20 = vector.broadcast %div3A : f32 to vector<1024xf32>
    %div3A_21 = arith.divf %div3A_20, %max3A_19 : vector<1024xf32>
    %broadcast_in_dim3A = vector.shape_cast %div3A_21 : vector<1024xf32> to vector<1024x1xf32>
    %mul3A = vector.broadcast %broadcast_in_dim3A : vector<1024x1xf32> to vector<1024x128xf32>
    %mul3A_22 = arith.mulf %add3A_17, %mul3A : vector<1024x128xf32>
    %get3A_23 = arith.constant 0 : index
    %get3A_24 = arith.constant 0 : index
    %get3A_25 = vector.load %arg4[%get3A_23, %get3A_24] : memref<128x128xf32, #tpu.memory_space<vmem>>, vector<128x128xf32>
    %dot_general3A = arith.constant dense<0.000000e+00> : vector<1024x128xf32>
    %dot_general3A_26 = tpu.matmul %mul3A_22, %get3A_25, %dot_general3A {dimension_numbers = #tpu.dot_dimension_numbers<[1], [1], [0], [0], [0, 0, 1, 0], [], []>, transpose_lhs_hint = false} : vector<1024x128xf32>, vector<128x128xf32>, vector<1024x128xf32> -> vector<1024x128xf32>
    %get3A_27 = arith.constant 0 : index
    %get3A_28 = arith.constant 0 : index
    %get3A_29 = vector.load %arg5[%get3A_27, %get3A_28] : memref<1x128xf32, #tpu.memory_space<vmem>>, vector<1x128xf32>
    %get3A_30 = vector.shape_cast %get3A_29 : vector<1x128xf32> to vector<128xf32>
    %broadcast_in_dim3A_31 = vector.shape_cast %get3A_30 : vector<128xf32> to vector<1x128xf32>
    %add3A_32 = vector.broadcast %broadcast_in_dim3A_31 : vector<1x128xf32> to vector<1024x128xf32>
    %add3A_33 = arith.addf %dot_general3A_26, %add3A_32 : vector<1024x128xf32>
    %get3A_34 = arith.constant 0 : index
    %get3A_35 = arith.constant 0 : index
    %get3A_36 = vector.load %arg3[%get3A_34, %get3A_35] : memref<1024x128xf32, #tpu.memory_space<vmem>>, vector<1024x128xf32>
    %get3A_37 = arith.constant 0 : index
    %get3A_38 = arith.constant 0 : index
    %get3A_39 = vector.load %arg6[%get3A_37, %get3A_38] : memref<128x128xf32, #tpu.memory_space<vmem>>, vector<128x128xf32>
    %dot_general3A_40 = arith.constant dense<0.000000e+00> : vector<1024x128xf32>
    %dot_general3A_41 = tpu.matmul %get3A_36, %get3A_39, %dot_general3A_40 {dimension_numbers = #tpu.dot_dimension_numbers<[1], [1], [0], [0], [0, 0, 1, 0], [], []>, transpose_lhs_hint = false} : vector<1024x128xf32>, vector<128x128xf32>, vector<1024x128xf32> -> vector<1024x128xf32>
    %add3A_42 = arith.addf %add3A_33, %dot_general3A_41 : vector<1024x128xf32>
    %max3A_43 = arith.constant 0.000000e+00 : f32
    %max3A_44 = vector.broadcast %max3A_43 : f32 to vector<1024x128xf32>
    %max3A_45 = arith.maximumf %add3A_42, %max3A_44 : vector<1024x128xf32>
    %swap3A = arith.constant 0 : index
    %swap3A_46 = arith.constant 0 : index
    %swap3A_47 = vector.load %arg7[%swap3A, %swap3A_46] : memref<1024x128xf32, #tpu.memory_space<vmem>>, vector<1024x128xf32>
    tpu.vector_store %arg7[%swap3A, %swap3A_46], %max3A_45 {strides = array<i32>} : memref<1024x128xf32, #tpu.memory_space<vmem>>, vector<1024x128xf32>,
    return
  }
  func.func @transform_0(%arg0: i32) -> (i32, i32, i32) {
    %c0_i32 = arith.constant 0 : i32
    %c0_i32_0 = arith.constant 0 : i32
    %c0_i32_1 = arith.constant 0 : i32
    return %c0_i32, %arg0, %c0_i32_0 : i32, i32, i32
  }
  func.func @transform_1(%arg0: i32) -> (i32, i32) {
    %c0_i32 = arith.constant 0 : i32
    %c0_i32_0 = arith.constant 0 : i32
    return %c0_i32, %arg0 : i32, i32
  }
  func.func @transform_2(%arg0: i32) -> (i32, i32) {
    %c0_i32 = arith.constant 0 : i32
    %c0_i32_0 = arith.constant 0 : i32
    return %arg0, %c0_i32 : i32, i32
  }
  func.func @transform_3(%arg0: i32) -> (i32, i32) {
    %c0_i32 = arith.constant 0 : i32
    %c0_i32_0 = arith.constant 0 : i32
    %c0_i32_1 = arith.constant 0 : i32
    return %c0_i32, %c0_i32_0 : i32, i32
  }
  func.func @transform_4(%arg0: i32) -> (i32, i32) {
    %c0_i32 = arith.constant 0 : i32
    %c0_i32_0 = arith.constant 0 : i32
    %c0_i32_1 = arith.constant 0 : i32
    return %c0_i32, %c0_i32_0 : i32, i32
  }
  func.func @transform_5(%arg0: i32) -> (i32, i32) {
    %c0_i32 = arith.constant 0 : i32
    %c0_i32_0 = arith.constant 0 : i32
    %c0_i32_1 = arith.constant 0 : i32
    return %c0_i32, %c0_i32_0 : i32, i32
  }
  func.func @transform_6(%arg0: i32) -> (i32, i32) {
    %c0_i32 = arith.constant 0 : i32
    %c0_i32_0 = arith.constant 0 : i32
    return %arg0, %c0_i32 : i32, i32
  }
}

module attributes {stable_mosaic.version = 14 : i64} {
  func.func @_dense_body(%arg0: i32, %arg1: memref<2x1024x128xf32, #tpu.memory_space<vmem>>, %arg2: memref<2x1024xf32, #tpu.memory_space<vmem>>, %arg3: memref<1024x128xf32, #tpu.memory_space<vmem>>, %arg4: memref<128x128xf32, #tpu.memory_space<vmem>>, %arg5: memref<1x128xf32, #tpu.memory_space<vmem>>, %arg6: memref<128x128xf32, #tpu.memory_space<vmem>>, %arg7: memref<1024x128xf32, #tpu.memory_space<vmem>>) attributes {dimension_semantics = [#tpu.dimension_semantics<arbitrary>], iteration_bounds = array<i64: 10>, scalar_prefetch = 0 : i64, scratch_operands = 0 : i64, tpu.core_type = #tpu.core_type<tc>, window_params = [{transform_indices = @transform_0, window_bounds = array<i64: 2, 1024, 128>}, {transform_indices = @transform_1, window_bounds = array<i64: 2, 1024>}, {transform_indices = @transform_2, window_bounds = array<i64: 1024, 128>}, {pipeline_mode = #tpu.pipeline_mode<synchronous>, transform_indices = @transform_3, window_bounds = array<i64: 128, 128>}, {pipeline_mode = #tpu.pipeline_mode<synchronous>, transform_indices = @transform_4, window_bounds = array<i64: 1, 128>}, {pipeline_mode = #tpu.pipeline_mode<synchronous>, transform_indices = @transform_5, window_bounds = array<i64: 128, 128>}, {transform_indices = @transform_6, window_bounds = array<i64: 1024, 128>}]} {
    %get3A = arith.constant 0 : index
    %get3A_0 = arith.constant 0 : index
    %get3A_1 = vector.load %arg2[%get3A, %get3A_0] : memref<2x1024xf32, #tpu.memory_space<vmem>>, vector<1x1024xf32>
    %get3A_2 = vector.shape_cast %get3A_1 : vector<1x1024xf32> to vector<1024xf32>
    %get3A_3 = arith.constant 1 : index
    %get3A_4 = arith.constant 0 : index
    %get3A_5 = vector.load %arg2[%get3A_3, %get3A_4] : memref<2x1024xf32, #tpu.memory_space<vmem>>, vector<1x1024xf32>
    %get3A_6 = vector.shape_cast %get3A_5 : vector<1x1024xf32> to vector<1024xf32>
    %add3A = arith.addf %get3A_2, %get3A_6 : vector<1024xf32>
    %get3A_7 = arith.constant 0 : index
    %get3A_8 = arith.constant 0 : index
    %get3A_9 = arith.constant 0 : index
    %get3A_10 = vector.load %arg1[%get3A_7, %get3A_8, %get3A_9] : memref<2x1024x128xf32, #tpu.memory_space<vmem>>, vector<1x1024x128xf32>
    %get3A_11 = vector.shape_cast %get3A_10 : vector<1x1024x128xf32> to vector<1024x128xf32>
    %get3A_12 = arith.constant 1 : index
    %get3A_13 = arith.constant 0 : index
    %get3A_14 = arith.constant 0 : index
    %get3A_15 = vector.load %arg1[%get3A_12, %get3A_13, %get3A_14] : memref<2x1024x128xf32, #tpu.memory_space<vmem>>, vector<1x1024x128xf32>
    %get3A_16 = vector.shape_cast %get3A_15 : vector<1x1024x128xf32> to vector<1024x128xf32>
    %add3A_17 = arith.addf %get3A_11, %get3A_16 : vector<1024x128xf32>
    %max3A = arith.constant 1.000000e+00 : f32
    %max3A_18 = vector.broadcast %max3A : f32 to vector<1024xf32>
    %max3A_19 = arith.maximumf %add3A, %max3A_18 : vector<1024xf32>
    %div3A = arith.constant 1.000000e+00 : f32
    %div3A_20 = vector.broadcast %div3A : f32 to vector<1024xf32>
    %div3A_21 = arith.divf %div3A_20, %max3A_19 : vector<1024xf32>
    %broadcast_in_dim3A = vector.shape_cast %div3A_21 : vector<1024xf32> to vector<1024x1xf32>
    %mul3A = vector.broadcast %broadcast_in_dim3A : vector<1024x1xf32> to vector<1024x128xf32>
    %mul3A_22 = arith.mulf %add3A_17, %mul3A : vector<1024x128xf32>
    %get3A_23 = arith.constant 0 : index
    %get3A_24 = arith.constant 0 : index
    %get3A_25 = vector.load %arg4[%get3A_23, %get3A_24] : memref<128x128xf32, #tpu.memory_space<vmem>>, vector<128x128xf32>
    %dot_general3A = arith.constant dense<0.000000e+00> : vector<1024x128xf32>
    %dot_general3A_26 = tpu.matmul %mul3A_22, %get3A_25, %dot_general3A {dimension_numbers = #tpu.dot_dimension_numbers<[1], [1], [0], [0], [0, 0, 1, 0], [], []>, transpose_lhs_hint = false} : vector<1024x128xf32>, vector<128x128xf32>, vector<1024x128xf32> -> vector<1024x128xf32>
    %get3A_27 = arith.constant 0 : index
    %get3A_28 = arith.constant 0 : index
    %get3A_29 = vector.load %arg5[%get3A_27, %get3A_28] : memref<1x128xf32, #tpu.memory_space<vmem>>, vector<1x128xf32>
    %get3A_30 = vector.shape_cast %get3A_29 : vector<1x128xf32> to vector<128xf32>
    %broadcast_in_dim3A_31 = vector.shape_cast %get3A_30 : vector<128xf32> to vector<1x128xf32>
    %add3A_32 = vector.broadcast %broadcast_in_dim3A_31 : vector<1x128xf32> to vector<1024x128xf32>
    %add3A_33 = arith.addf %dot_general3A_26, %add3A_32 : vector<1024x128xf32>
    %get3A_34 = arith.constant 0 : index
    %get3A_35 = arith.constant 0 : index
    %get3A_36 = vector.load %arg3[%get3A_34, %get3A_35] : memref<1024x128xf32, #tpu.memory_space<vmem>>, vector<1024x128xf32>
    %get3A_37 = arith.constant 0 : index
    %get3A_38 = arith.constant 0 : index
    %get3A_39 = vector.load %arg6[%get3A_37, %get3A_38] : memref<128x128xf32, #tpu.memory_space<vmem>>, vector<128x128xf32>
    %dot_general3A_40 = arith.constant dense<0.000000e+00> : vector<1024x128xf32>
    %dot_general3A_41 = tpu.matmul %get3A_36, %get3A_39, %dot_general3A_40 {dimension_numbers = #tpu.dot_dimension_numbers<[1], [1], [0], [0], [0, 0, 1, 0], [], []>, transpose_lhs_hint = false} : vector<1024x128xf32>, vector<128x128xf32>, vector<1024x128xf32> -> vector<1024x128xf32>
    %add3A_42 = arith.addf %add3A_33, %dot_general3A_41 : vector<1024x128xf32>
    %swap3A = arith.constant 0 : index
    %swap3A_43 = arith.constant 0 : index
    %swap3A_44 = vector.load %arg7[%swap3A, %swap3A_43] : memref<1024x128xf32, #tpu.memory_space<vmem>>, vector<1024x128xf32>
    tpu.vector_store %arg7[%swap3A, %swap3A_43], %add3A_42 {strides = array<i32>} : memref<1024x128xf32, #tpu.memory_space<vmem>>, vector<1024x128xf32>,
    return
  }
  func.func @transform_0(%arg0: i32) -> (i32, i32, i32) {
    %c0_i32 = arith.constant 0 : i32
    %c0_i32_0 = arith.constant 0 : i32
    %c0_i32_1 = arith.constant 0 : i32
    return %c0_i32, %arg0, %c0_i32_0 : i32, i32, i32
  }
  func.func @transform_1(%arg0: i32) -> (i32, i32) {
    %c0_i32 = arith.constant 0 : i32
    %c0_i32_0 = arith.constant 0 : i32
    return %c0_i32, %arg0 : i32, i32
  }
  func.func @transform_2(%arg0: i32) -> (i32, i32) {
    %c0_i32 = arith.constant 0 : i32
    %c0_i32_0 = arith.constant 0 : i32
    return %arg0, %c0_i32 : i32, i32
  }
  func.func @transform_3(%arg0: i32) -> (i32, i32) {
    %c0_i32 = arith.constant 0 : i32
    %c0_i32_0 = arith.constant 0 : i32
    %c0_i32_1 = arith.constant 0 : i32
    return %c0_i32, %c0_i32_0 : i32, i32
  }
  func.func @transform_4(%arg0: i32) -> (i32, i32) {
    %c0_i32 = arith.constant 0 : i32
    %c0_i32_0 = arith.constant 0 : i32
    %c0_i32_1 = arith.constant 0 : i32
    return %c0_i32, %c0_i32_0 : i32, i32
  }
  func.func @transform_5(%arg0: i32) -> (i32, i32) {
    %c0_i32 = arith.constant 0 : i32
    %c0_i32_0 = arith.constant 0 : i32
    %c0_i32_1 = arith.constant 0 : i32
    return %c0_i32, %c0_i32_0 : i32, i32
  }
  func.func @transform_6(%arg0: i32) -> (i32, i32) {
    %c0_i32 = arith.constant 0 : i32
    %c0_i32_0 = arith.constant 0 : i32
    return %arg0, %c0_i32 : i32, i32
  }
}

</mosaic_0001>

<sc_bundles>
// kernel: kernel.6.cloned.1.call-start
scs
__scs_entry_jumppad:
0x0: {  	(pc) =	sbr.rel $0x88, $3  }
0x1: {  	(tag) =	ssettag $0x0;
	lr =	simm.s32 $0x1  }
0x2: {  	[smem:$0x3F99] =	sst lr;
	_ =	strace $0xD0000000  }
0x3: {  	_ = 	snop  }
0x4: {  	_ = 	snop  }
0x5: {  	_ = 	snop  }
0x6: {  	_ = 	snop  }
0x7: {  	_ = 	snop  }
__scs_overlays_trampoline_lowered:
0x8: {  	[smem:$0x3FA8] =	sst s0  }
0x9: {  	[smem:$0x3FA9] =	sst s1  }
0xa: {  	[smem:$0x3FAA] =	sst s2  }
0xb: {  	[smem:$0x3FAB] =	sst s3  }
0xc: {  	[smem:$0x3FAC] =	sst s4  }
0xd: {  	[smem:$0x3FAD] =	sst s5  }
0xe: {  	[smem:$0x3FAE] =	sst s6  }
0xf: {  	[smem:$0x3FAF] =	sst s7  }
0x10: {  	[smem:$0x3FB0] =	sst s8  }
0x11: {  	[smem:$0x3FB1] =	sst s9;
	s0 =	simm.s32 @!p0 $0x0  }
0x12: {  	s1 =	sld [smem:$0x3F97];
	s0 =	simm.s32 @p0 $0x1  }
0x13: {  	[smem:$0x3FB2] =	sst s0;
	s0 =	simm.s32 @!p1 $0x0  }
0x14: {  	s2 =	sld [smem:$0x3F96];
	s0 =	simm.s32 @p1 $0x1  }
0x15: {  	[smem:$0x3FB3] =	sst s0;
	s0 =	simm.s32 @!p2 $0x0  }
0x16: {  	s3 =	sld [smem:$0x3FDB];
	s0 =	simm.s32 @p2 $0x1  }
0x17: {  	s4 =	simm.s32 $0x1BF5;
	[smem:$0x3FB5] =	sst s0  }
0x18: {  	s0 =	sld [smem:$0x3F98];
	_ =	swait.ge [sflag:s4], $0x0  }
0x19: {  	s7 =	sld [smem:$0x3F99]  }
0x1a: {  	s8 =	sadd.s32 $0xFFFFE003, lr  }
0x1b: {  	s9 =	sadd.s32 $0xFFFFFEF7, lr;
	s5 =	simm.s32 $0xFFFFFFFF;
	p2 =	slt.u32 s8, $0xFFFFF086  }
0x1c: {  	p1 =	slt.u32 s9, $0xF7A;
	s5 =	simm.s32 @!p2 $0x0  }
0x1d: {  	s5 =	simm.s32 @p1 $0x1;
	p0 =	seq.s32 s7, s2  }
0x1e: {  	s7 =	smul.u32 @!p0 $0xF7A, s2;
	p2 =	seq.s32 @!p0 s5, $0x0  }
0x1f: {  	s9 =	smul.u32 $0xF7A, s1;
	s8 =	simm.s32 @!p0 $0x1BF5;
	p2 =	por !p2, p0  }
0x20: {  	[sflag:s8] =	ssyncset.s32 @!p0 $0xFFFFF086;
	s6 =	sadd.s32 @!p0 s3, s7;
	s7 =	simm.s32 @!p0 $0x108  }
0x21: {  	s3 =	sadd.s32 s3, s9;
	s6 =	sadd.s32 @!p0 $0x88, s6;
	s7 =	simm.s32 @p2 $0x1082  }
0x22: {  	[simem:s7], [sflag:s8] =	dma.local @!p0 [hbm:s6], $0xF7A  }
0x23: {  	s9 =	sor.u32 $0xD0000000, s2;
	s6 =	simm.s32 $0x108;
	_ =	swait.ge @!p0 [sflag:s8], $0x0  }
0x24: {  	s3 =	sadd.s32 $0x88, s3;
	s6 =	simm.s32 @!p1 $0x1082;
	[sflag:s4] =	ssyncset.s32 $0xFFFFF086  }
0x25: {  	[simem:s6], [sflag:s4] =	dma.local [hbm:s3], $0xF7A  }
0x26: {  	[smem:$0x3F99] =	sst s1;
	(tag) =	ssettag s2;
	_ =	strace s9  }
0x27: {  	s1 =	sld [smem:$0x3FA9]  }
0x28: {  	s2 =	sld [smem:$0x3FAA]  }
0x29: {  	s4 =	sld [smem:$0x3FAC]  }
0x2a: {  	p0 =	seq.s32 s5, $0x0;
	s5 =	sld [smem:$0x3FAD]  }
0x2b: {  	s6 =	sld [smem:$0x3FAE]  }
0x2c: {  	s7 =	sld [smem:$0x3FAF]  }
0x2d: {  	s3 =	simm.s32 $0x108;
	s8 =	sld [smem:$0x3FB0]  }
0x2e: {  	s3 =	simm.s32 @!p0 $0x1082;
	s9 =	sld [smem:$0x3FB1]  }
0x2f: {  	lr =	sadd.s32 s0, s3;
	s0 =	sld [smem:$0x3FA8]  }
0x30: {  	s3 =	sld [smem:$0x3FAB]  }
0x31: {  	[smem:$0x3FB4] =	sst s10  }
0x32: {  	s10 =	sld [smem:$0x3FB2];
	_ =	sdelay $0x3  }
0x33: {  	p0 =	seq.s32 s10, $0x1;
	s10 =	sld [smem:$0x3FB4];
	_ =	sdelay $0x3  }
0x34: {  	[smem:$0x3FB4] =	sst s10  }
0x35: {  	s10 =	sld [smem:$0x3FB3];
	_ =	sdelay $0x3  }
0x36: {  	p1 =	seq.s32 s10, $0x1;
	s10 =	sld [smem:$0x3FB4];
	_ =	sdelay $0x3  }
0x37: {  	[smem:$0x3FB4] =	sst s10  }
0x38: {  	s10 =	sld [smem:$0x3FB5]  }
0x39: {  	_ = 	snop;
	(pc) =	sbr.ind lr, $3  }
0x3a: {  	_ = 	snop  }
0x3b: {  	_ = 	snop  }
0x3c: {  	p2 =	seq.s32 s10, $0x1;
	s10 =	sld [smem:$0x3FB4]  }
0x3d: {  	_ =	shalt  }
0x3e: {  	_ =	shalt  }
0x3f: {  	_ =	shalt  }
0x40: {  	_ =	shalt  }
0x41: {  	_ =	shalt  }
0x42: {  	_ =	shalt  }
0x43: {  	_ =	shalt  }
0x44: {  	_ =	shalt  }
0x45: {  	_ =	shalt  }
0x46: {  	_ =	shalt  }
0x47: {  	_ =	shalt  }
0x48: {  	_ =	shalt  }
0x49: {  	_ =	shalt  }
0x4a: {  	_ =	shalt  }
0x4b: {  	_ =	shalt  }
0x4c: {  	_ =	shalt  }
0x4d: {  	_ =	shalt  }
0x4e: {  	_ =	shalt  }
0x4f: {  	_ =	shalt  }
0x50: {  	_ =	shalt  }
0x51: {  	_ =	shalt  }
0x52: {  	_ =	shalt  }
0x53: {  	_ =	shalt  }
0x54: {  	_ =	shalt  }
0x55: {  	_ =	shalt  }
0x56: {  	_ =	shalt  }
0x57: {  	_ =	shalt  }
0x58: {  	_ =	shalt  }
0x59: {  	_ =	shalt  }
0x5a: {  	_ =	shalt  }
0x5b: {  	_ =	shalt  }
0x5c: {  	_ =	shalt  }
0x5d: {  	_ =	shalt  }
0x5e: {  	_ =	shalt  }
0x5f: {  	_ =	shalt  }
0x60: {  	_ =	shalt  }
0x61: {  	_ =	shalt  }
0x62: {  	_ =	shalt  }
0x63: {  	_ =	shalt  }
0x64: {  	_ =	shalt  }
0x65: {  	_ =	shalt  }
0x66: {  	_ =	shalt  }
0x67: {  	_ =	shalt  }
0x68: {  	_ =	shalt  }
0x69: {  	_ =	shalt  }
0x6a: {  	_ =	shalt  }
0x6b: {  	_ =	shalt  }
0x6c: {  	_ =	shalt  }
0x6d: {  	_ =	shalt  }
0x6e: {  	_ =	shalt  }
0x6f: {  	_ =	shalt  }
0x70: {  	_ =	shalt  }
0x71: {  	_ =	shalt  }
0x72: {  	_ =	shalt  }
0x73: {  	_ =	shalt  }
0x74: {  	_ =	shalt  }
0x75: {  	_ =	shalt  }
0x76: {  	_ =	shalt  }
0x77: {  	_ =	shalt  }
0x78: {  	_ =	shalt  }
0x79: {  	_ =	shalt  }
0x7a: {  	_ =	shalt  }
0x7b: {  	_ =	shalt  }
0x7c: {  	_ =	shalt  }
0x7d: {  	_ =	shalt  }
0x7e: {  	_ =	shalt  }
0x7f: {  	_ =	shalt  }
0x80: {  	_ =	shalt  }
0x81: {  	_ =	shalt  }
0x82: {  	_ =	shalt  }
0x83: {  	_ =	shalt  }
0x84: {  	_ =	shalt  }
0x85: {  	_ =	shalt  }
0x86: {  	_ =	shalt  }
0x87: {  	_ =	shalt  }
.Lfunc_end0:
.L_simem_size_0:
called_computation_lowered:
.L_overlay_start_0:
0x88: {  	s2 =	sld [smem:$0x3FD9]  }
0x89: {  	s3 =	sld [smem:$0x3FFE];
	_ =	sdelay $0x1  }
0x8a: {  	s1 =	srdreg.scid  }
0x8b: {  	s0 =	sand.u32 $0x1, s1  }
0x8c: {  	s17 =	sshll.u32 s0, $0xA;
	s2 =	sadd.s32 s3, s2  }
0x8d: {  	s2 =	sadd.s32 s2, s17  }
0x8e: {  	[smem:$0x3FC0] =	sst s2  }
0x8f: {  	_ = 	snop  }
0x90: {  	s2 =	sld [smem:$0x3FD0];
	(tm) =	ssettm $0x1  }
0x91: {  	s18 =	sld [smem:$0x3FFB];
	_ =	sdelay $0x3  }
0x92: {  	_ =	strace s18  }
0x93: {  	s3 =	sld [smem:$0x3FFC];
	_ =	sdelay $0x3  }
0x94: {  	_ =	strace s3  }
0x95: {  	s3 =	sld [smem:$0x3FFD];
	_ =	sdelay $0x3  }
0x96: {  	_ =	strace s3  }
0x97: {  	_ =	strace $0x8FFFFFFF  }
0x98: {  	s19 =	sld [smem:$0x3FDB];
	_ =	sdelay $0x1  }
0x99: {  	s4 =	simm.s32 $_scs_section_size  }
0x9a: {  	s5 =	simm.s32 $_size__tile_overlayer_lowered;
	s6 =	simm.s32 $_tile_overlayer_lowered  }
0x9b: {  	s22 =	simm.s32 $0x1BFF;
	s21 =	sshll.u32 s6, $0x1;
	s3 =	sadd.s32 s4, s19  }
0x9c: {  	s7 =	simm.s32 $0x0;
	s20 =	sshll.u32 s5, $0x1;
	s5 =	sadd.s32 s21, s3  }
0x9d: {  	[timem:s7], [sflag:s22] =	dma.local [hbm:s5], s20  }
0x9e: {  	_ =	swait.ge [sflag:s22], s20  }
0x9f: {  	s4 =	ssub.s32 $0x0, s20;
	[sflag:s22] =	ssyncset.done $0x0  }
0xa0: {  	[sflag:s22] =	ssyncadd.s32 s4;
	_ =	sdelay $0x1  }
0xa1: {  	s23 =	simm.s32 $0x1B8B  }
0xa2: {  	_ =	swait.ge [sflag:s23], $0x1  }
0xa3: {  	[sflag:s23] =	ssyncset.done $0x0  }
0xa4: {  	s25 =	simm.s32 $0x1B8E;
	s24 =	sld [smem:$0x3FFE];
	[sflag:s23] =	ssyncadd.s32 $0xFFFFFFFF  }
0xa5: {  	s26 =	simm.s32 $execute0_lowered;
	[smem:$0x3FD2] =	sst s25  }
0xa6: {  	s5 =	sshll.u32 s26, $0x1;
	_ =	strace $0x80000046;
	[dreg:$0x1] =	wrdreg $0xFFFFFFFF  }
0xa7: {  	s28 =	simm.s32 $_size_execute0_lowered;
	s3 =	sadd.s32 s3, s5;
	[dreg:$0x0] =	wrdreg $0x0  }
0xa8: {  	s5 =	sshll.u32 s28, $0x1;
	[dreg:$0x2] =	wrdreg s3  }
0xa9: {  	[dreg:$0x3] =	wrdreg s5  }
0xaa: {  	[dreg:$0x4] =	wrdreg $0xC0  }
0xab: {  	_ =	task [dreg:s7], $0x5FFFF  }
0xac: {  	[dreg:$0x1] =	wrdreg $0xFFFFFFFF  }
0xad: {  	[dreg:$0x0] =	wrdreg $0x60  }
0xae: {  	[dreg:$0x2] =	wrdreg s24  }
0xaf: {  	[dreg:$0x3] =	wrdreg s2  }
0xb0: {  	[dreg:$0x4] =	wrdreg $0x0  }
0xb1: {  	[dreg:$0x5] =	wrdreg $0x169000  }
0xb2: {  	[dreg:$0x6] =	wrdreg $0x9  }
0xb3: {  	_ =	task.clear_ibuf [dreg:s7], $0x7FFFF;
	_ =	strace $0x90000046  }
0xb4: {  	s29 =	simm.s32 $0x9;
	_ =	strace $0x80000048  }
0xb5: {  	_ =	swait.ge [sflag:s29], $0x1  }
0xb6: {  	[sflag:s29] =	ssyncadd.s32 $0xFFFFFFFF  }
0xb7: {  	_ =	strace $0x90000048  }
0xb8: {  	_ =	sfence  }
0xb9: {  	s30 =	sld [smem:$0x0];
	_ =	sdelay $0x2  }
0xba: {  	s31 =	sshll.u32 s1, $0xD;
	s1 =	sshrl.u32 s1, $0x2  }
0xbb: {  	s3 =	sand.u32 $0x4000, s31;
	s1 =	sadd.s32 s1, s30  }
0xbc: {  	s0 =	sor.u32 s3, s0;
	s1 =	sshll.u32 s1, $0x11  }
0xbd: {  	s0 =	sor.u32 s1, s0  }
0xbe: {  	s0 =	sadd.s32 $0x8F2B, s0  }
0xbf: {  	[sflag:s0] =	ssyncadd.remote.s32 $0x1  }
0xc0: {  	_ =	sfence.sel $0xFFFF  }
0xc1: {  	[dreg:$0x0] =	wrdreg $0xFFFFFFFF;
	(pc) =	sbr.abs _section_cstart, $3  }
0xc2: {  	[dreg:$0x1] =	wrdreg $0xFFFFFFFF  }
0xc3: {  	_ =	task.clear_ibuf [dreg:s7], $0x2FFFF;
	_ =	strace $0x9FFFFFFF  }
0xc4: {  	(tm) =	ssettm $0x7FFFFFFF  }
0xc5: {  	_ =	shalt  }
tec
execute0_lowered:
.L_overlay_start_1:
0x0: {  	(tag) =	ssettag $0x1  }
0x1: {  	s8 =	rddreg [dreg:$0x0]  }
0x2: {  	s12 =	rddreg [dreg:$0x1]  }
0x3: {  	s2 =	rddreg [dreg:$0x2]  }
0x4: {  	s0 =	srdreg.scid;
	s3 =	rddreg [dreg:$0x3]  }
0x5: {  	s1 =	rddreg [dreg:$0x4];
	s9 =	sand.u32 $0x1, s0  }
0x6: {  	s0 =	stileid.u32;
	s5 =	smul.u32 $0x27100, s9  }
0x7: {  	s4 =	simm.s32 $0x0;
	s18 =	simm.s32 $0x14080;
	s6 =	smul.u32 $0x2710, s0  }
0x8: {  	s19 =	simm.s32 $0x50;
	s20 =	simm.s32 $0x14100;
	s7 =	smul.u32 $0x140000, s9  }
0x9: {  	s21 =	simm.s32 $0x1;
	s22 =	simm.s32 $0x16B80;
	s10 =	smul.u32 $0x14000, s0  }
0xa: {  	s23 =	simm.s32 $0x20;
	[smem:$0x7FF] =	sst s4;
	s25 =	smul.u32 $0x500, s0  }
0xb: {  	s24 =	simm.s32 $0x10;
	_ =	strace $0x80000047;
	s26 =	smul.u32 $0x50000, s0  }
0xc: {  	s15 =	sshll.u32 s9, $0x7;
	s9 =	ssub.s32 $0x2, s9;
	s16 =	smul.u32 $0xA00, s0  }
0xd: {  	s30 =	sshll.u32 s0, $0x6;
	s28 =	sshrl.u32 s9, $0x1;
	s6 =	sadd.s32 s6, s5  }
0xe: {  	s5 =	sadd.s32 $0xC400, s8;
	s7 =	sadd.s32 s10, s7;
	s10 =	sor.u32 s15, s25  }
0xf: {  	s17 =	ssub.s32 s9, s28;
	s29 =	sshrl.u32 s26, $0x2;
	s31 =	sshrl.u32 s16, $0x2  }
0x10: {  	s25 =	simm.s32 $0x0;
	s13 =	sshrl.u32 s6, $0x3;
	s6 =	sadd.s32 $0x34600, s8  }
0x11: {  	s11 =	sshrl.u32 s7, $0x3;
	s7 =	sadd.s32 $0x34400, s8;
	s10 =	sshrl.u32 s10, $0x3  }
0x12: {  	s15 =	sadd.s32 s29, s2;
	s16 =	sadd.s32 s31, s3;
	s14 =	sadd.s32 s13, s8  }
0x13: {  	s11 =	sadd.s32 s11, s8;
	s10 =	sadd.s32 s10, s8;
	s8 =	sor.u32 $0x1C02, s30  }
0x14: {  	s12 =	sadd.s32 s13, s12;
	s16 =	sshrl.u32 s16, $0x3;
	s9 =	sadd.s32 $0x36E00, s11  }
0x15: {  	s10 =	sadd.s32 $0x86E00, s10;
	s11 =	smax.u32 s17, $0x1;
	s13 =	sadd.s32 $0x2600, s14  }
0x16: {  	v0 =	vimm.f32 $1.000000000e+00;
	s14 =	sshrl.u32 s15, $0x3;
	s15 =	simm.s32 $0x2;
	s17 =	simm.s32 $0x14000  }
.LBB2_1:
0x17: {  	[spmem:s14], [sflag:s8] =	dma.local [hbm:s6], $0x2800  }
0x18: {  	_ =	swait.ge [sflag:s15], $0x2800  }
0x19: {  	[sflag:s15] =	ssyncset.done $0x0  }
0x1a: {  	[sflag:s15] =	ssyncadd.s32 $0xFFFFD800  }
0x1b: {  	[spmem:s16], [sflag:s8] =	dma.local [hbm:s7], $0x50  }
0x1c: {  	_ =	swait.ge [sflag:s15], $0x50  }
0x1d: {  	[sflag:s15] =	ssyncset.done $0x0  }
0x1e: {  	[sflag:s15] =	ssyncadd.s32 $0xFFFFFFB0  }
0x1f: {  	[tilespmem:$0x16B80] =	vst v0  }
0x20: {  	[tilespmem:$0x16B90] =	vst v0  }
0x21: {  	[tilespmem:$0x16BA0] =	vst v0  }
0x22: {  	[tilespmem:$0x16BB0] =	vst v0  }
0x23: {  	[tilespmem:$0x16BC0] =	vst v0  }
0x24: {  	s26 =	sadd.s32 $0x0, s13;
	[bflag:$0x0] =	sbarrier.arrive $0xFFFF  }
0x25: {  	[tilespmem:s17], [sflag:$0x2] =	stream.linear.gather [hbm4b:s26+s4], $0x50, $0x38;
	[tilespmem:$0x16C00] =	vst v63  }
0x26: {  	_ =	swait.ge [sflag:s15], $0x50  }
0x27: {  	[sflag:s15] =	ssyncset.done $0x0  }
0x28: {  	s31 =	sadd.s32 $0x0, s12;
	[sflag:s15] =	ssyncadd.s32 $0xFFFFFFB0  }
0x29: {  	[tilespmem:s18], [sflag:$0x2] =	stream.linear.gather [hbm4b:s31+s4], $0x50, $0x38;
	[tilespmem:$0x16C00] =	vst v63  }
0x2a: {  	_ =	swait.ge [sflag:s15], $0x50  }
0x2b: {  	[sflag:s15] =	ssyncset.done $0x0  }
0x2c: {  	[sflag:s15] =	ssyncadd.s32 $0xFFFFFFB0  }
0x2d: {  	[tilespmem:s20], [sflag:$0x1] =	stream.indirect.gather [hbm4b:s5+s19], $0x80, s17, s19, $0xb8;
	[tilespmem:$0x16C00] =	vst v63  }
0x2e: {  	_ =	swait.ge [sflag:s21], $0x2800  }
0x2f: {  	[sflag:s21] =	ssyncset.done $0x0  }
0x30: {  	[sflag:s21] =	ssyncadd.s32 $0xFFFFD800  }
0x31: {  	[spmem:s2] =	stream.indirect.scatter.add.f32 [tilespmem:s20], [sflag:$0x2], $0x80, s18, s19, $0xb8;
	[tilespmem:$0x16C00] =	vst v63  }
0x32: {  	_ =	swait.ge [sflag:s15], $0x2800  }
0x33: {  	[sflag:s15] =	ssyncset.done $0x0  }
0x34: {  	[sflag:s15] =	ssyncadd.s32 $0xFFFFD800  }
0x35: {  	[spmem:s3] =	stream.indirect.scatter.add.f32 [tilespmem:s22], [sflag:$0x2], $0x1, s18, s19, $0xb8;
	[tilespmem:$0x16C00] =	vst v63  }
0x36: {  	_ =	swait.ge [sflag:s15], $0x50  }
0x37: {  	s28 =	simm.s32 $0x14;
	s26 =	simm.s32 $0xA;
	[sflag:s15] =	ssyncset.done $0x0  }
.LBB2_2:
0x38: {  	s29 =	sadd.s32 s26, s13  }
0x39: {  	[sflag:s15] =	ssyncadd.s32 $0xFFFFFFB0;
	s30 =	smov.u32 s28;
	s31 =	sadd.s32 $0xA, s28  }
0x3a: {  	[tilespmem:s17], [sflag:$0x2] =	stream.linear.gather [hbm4b:s29+s4], $0x50, $0x38;
	[tilespmem:$0x16C00] =	vst v63  }
0x3b: {  	p0 =	sne.s32 s28, $0x4D8;
	_ =	swait.ge [sflag:s15], $0x50  }
0x3c: {  	[sflag:s15] =	ssyncset.done $0x0  }
0x3d: {  	s28 =	sadd.s32 s26, s12;
	s26 =	smov.u32 s30;
	[sflag:s15] =	ssyncadd.s32 $0xFFFFFFB0  }
0x3e: {  	[tilespmem:s18], [sflag:$0x2] =	stream.linear.gather [hbm4b:s28+s4], $0x50, $0x38;
	[tilespmem:$0x16C00] =	vst v63  }
0x3f: {  	_ =	swait.ge [sflag:s15], $0x50  }
0x40: {  	[sflag:s15] =	ssyncset.done $0x0  }
0x41: {  	[sflag:s15] =	ssyncadd.s32 $0xFFFFFFB0  }
0x42: {  	[tilespmem:s20], [sflag:$0x1] =	stream.indirect.gather [hbm4b:s5+s19], $0x80, s17, s19, $0xb8;
	[tilespmem:$0x16C00] =	vst v63  }
0x43: {  	_ =	swait.ge [sflag:s21], $0x2800  }
0x44: {  	[sflag:s21] =	ssyncset.done $0x0  }
0x45: {  	[sflag:s21] =	ssyncadd.s32 $0xFFFFD800  }
0x46: {  	[spmem:s2] =	stream.indirect.scatter.add.f32 [tilespmem:s20], [sflag:$0x2], $0x80, s18, s19, $0xb8;
	[tilespmem:$0x16C00] =	vst v63  }
0x47: {  	_ =	swait.ge [sflag:s15], $0x2800  }
.Ltmp0:
0x48: {  	[sflag:s15] =	ssyncset.done $0x0;
	(pc) =	sbr.rel @p0 .LBB2_2-.Ltmp0, $4  }
0x49: {  	[sflag:s15] =	ssyncadd.s32 $0xFFFFD800  }
0x4a: {  	[spmem:s3] =	stream.indirect.scatter.add.f32 [tilespmem:s22], [sflag:$0x2], $0x1, s18, s19, $0xb8;
	[tilespmem:$0x16C00] =	vst v63  }
0x4b: {  	_ =	swait.ge [sflag:s15], $0x50  }
0x4c: {  	s28 =	smov.u32 s31;
	[sflag:s15] =	ssyncset.done $0x0  }
0x4d: {  	s28 =	sadd.s32 s26, s13;
	[sflag:s15] =	ssyncadd.s32 $0xFFFFFFB0  }
0x4e: {  	[tilespmem:s17], [sflag:$0x2] =	stream.linear.gather [hbm4b:s28+s4], $0x50, $0x38;
	[tilespmem:$0x16C00] =	vst v63  }
0x4f: {  	_ =	swait.ge [sflag:s15], $0x50  }
0x50: {  	[sflag:s15] =	ssyncset.done $0x0  }
0x51: {  	s31 =	sadd.s32 s26, s12;
	[sflag:s15] =	ssyncadd.s32 $0xFFFFFFB0  }
0x52: {  	[tilespmem:s18], [sflag:$0x2] =	stream.linear.gather [hbm4b:s31+s4], $0x50, $0x38;
	[tilespmem:$0x16C00] =	vst v63  }
0x53: {  	_ =	swait.ge [sflag:s15], $0x50  }
0x54: {  	[sflag:s15] =	ssyncset.done $0x0  }
0x55: {  	[sflag:s15] =	ssyncadd.s32 $0xFFFFFFB0  }
0x56: {  	[tilespmem:s20], [sflag:$0x1] =	stream.indirect.gather [hbm4b:s5+s19], $0x80, s17, s19, $0xb8;
	[tilespmem:$0x16C00] =	vst v63  }
0x57: {  	_ =	swait.ge [sflag:s21], $0x2800  }
0x58: {  	[sflag:s21] =	ssyncset.done $0x0  }
0x59: {  	[sflag:s21] =	ssyncadd.s32 $0xFFFFD800  }
0x5a: {  	[spmem:s2] =	stream.indirect.scatter.add.f32 [tilespmem:s20], [sflag:$0x2], $0x80, s18, s19, $0xb8;
	[tilespmem:$0x16C00] =	vst v63  }
0x5b: {  	_ =	swait.ge [sflag:s15], $0x2800  }
0x5c: {  	[sflag:s15] =	ssyncset.done $0x0  }
0x5d: {  	[sflag:s15] =	ssyncadd.s32 $0xFFFFD800  }
0x5e: {  	[spmem:s3] =	stream.indirect.scatter.add.f32 [tilespmem:s22], [sflag:$0x2], $0x1, s18, s19, $0xb8;
	[tilespmem:$0x16C00] =	vst v63  }
0x5f: {  	_ =	swait.ge [sflag:s15], $0x50  }
0x60: {  	[sflag:s15] =	ssyncset.done $0x0  }
0x61: {  	[sflag:s15] =	ssyncadd.s32 $0xFFFFFFB0  }
0x62: {  	[bflag:$0x0] =	sbarrier.arrive $0xFFFF  }
0x63: {  	[hbm:s9], [sflag:s8] =	dma.local [spmem:s14], $0x2800  }
0x64: {  	s25 =	sadd.s32 $0x1, s25;
	_ =	swait.ge [sflag:s15], $0x2800  }
0x65: {  	p0 =	sne.s32 s25, s11;
	[sflag:s15] =	ssyncset.done $0x0  }
.Ltmp1:
0x66: {  	[sflag:s15] =	ssyncadd.s32 $0xFFFFD800;
	(pc) =	sbr.rel @p0 .LBB2_1-.Ltmp1, $4  }
0x67: {  	[hbm:s10@s23], [sflag:s8] =	dma.strided [spmem:s16@s24], $0x50, s21, $0x10   }
0x68: {  	_ =	swait.ge [sflag:s15], $0x50  }
0x69: {  	[sflag:s15] =	ssyncset.done $0x0  }
0x6a: {  	[sflag:s15] =	ssyncadd.s32 $0xFFFFFFB0  }
0x6b: {  	_ =	sfence.sel $0x180000  }
0x6c: {  	[bflag:$0x0] =	sbarrier.arrive $0xFFFF  }
0x6d: {  	p0 =	sne.s32 s0, $0x0;
	_ =	strace $0x90000047  }
0x6e: {  	s0 =	sadd.s32 @!p0 $0x100000, s1;
	[bflag:$0x2] =	sbarrier.arrive $0xFFFF  }
0x6f: {  	[sflag:s0] =	ssyncadd.tile.s32 @!p0 $0x1;
	_ =	shalt  }
.Lfunc_end2:
_tile_overlayer_lowered:
.L_overlay_start_2:
0x70: {  	(tag) =	ssettag $0x2  }
0x71: {  	s0 =	rddreg [dreg:$0x0];
	s2 =	stileid.u32  }
0x72: {  	s1 =	rddreg [dreg:$0x1];
	p0 =	sne.s32 s2, $0x0  }
0x73: {  	s3 =	rddreg [dreg:$0x2];
	[bflag:$0x3] =	sbarrier.arrive $0xFFFF;
	s2 =	simm.s32 @!p0 $0x1C02  }
0x74: {  	[timem:s3], [sflag:s2] =	dma.local @!p0 [hbm:s0], s1  }
0x75: {  	s0 =	simm.s32 @!p0 $0x2  }
0x76: {  	_ =	swait.ge @!p0 [sflag:s0], s1  }
0x77: {  	s1 =	ssub.s32 @!p0 $0x0, s1;
	[sflag:s0] =	ssyncset.done @!p0 $0x0  }
0x78: {  	[sflag:s0] =	ssyncadd.s32 @!p0 s1  }
0x79: {  	[bflag:$0x3] =	sbarrier.arrive $0xFFFF  }
0x7a: {  	_ =	shalt  }

// kernel: kernel.9.cloned.1.call-start
scs
__scs_entry_jumppad:
0x0: {  	(pc) =	sbr.rel $0x88, $3  }
0x1: {  	(tag) =	ssettag $0x0;
	lr =	simm.s32 $0x1  }
0x2: {  	[smem:$0x3F99] =	sst lr;
	_ =	strace $0xD0000000  }
0x3: {  	_ = 	snop  }
0x4: {  	_ = 	snop  }
0x5: {  	_ = 	snop  }
0x6: {  	_ = 	snop  }
0x7: {  	_ = 	snop  }
__scs_overlays_trampoline_lowered:
0x8: {  	[smem:$0x3FA8] =	sst s0  }
0x9: {  	[smem:$0x3FA9] =	sst s1  }
0xa: {  	[smem:$0x3FAA] =	sst s2  }
0xb: {  	[smem:$0x3FAB] =	sst s3  }
0xc: {  	[smem:$0x3FAC] =	sst s4  }
0xd: {  	[smem:$0x3FAD] =	sst s5  }
0xe: {  	[smem:$0x3FAE] =	sst s6  }
0xf: {  	[smem:$0x3FAF] =	sst s7  }
0x10: {  	[smem:$0x3FB0] =	sst s8  }
0x11: {  	[smem:$0x3FB1] =	sst s9;
	s0 =	simm.s32 @!p0 $0x0  }
0x12: {  	s1 =	sld [smem:$0x3F97];
	s0 =	simm.s32 @p0 $0x1  }
0x13: {  	[smem:$0x3FB2] =	sst s0;
	s0 =	simm.s32 @!p1 $0x0  }
0x14: {  	s2 =	sld [smem:$0x3F96];
	s0 =	simm.s32 @p1 $0x1  }
0x15: {  	[smem:$0x3FB3] =	sst s0;
	s0 =	simm.s32 @!p2 $0x0  }
0x16: {  	s3 =	sld [smem:$0x3FDB];
	s0 =	simm.s32 @p2 $0x1  }
0x17: {  	s4 =	simm.s32 $0x1BF5;
	[smem:$0x3FB5] =	sst s0  }
0x18: {  	s0 =	sld [smem:$0x3F98];
	_ =	swait.ge [sflag:s4], $0x0  }
0x19: {  	s7 =	sld [smem:$0x3F99]  }
0x1a: {  	s8 =	sadd.s32 $0xFFFFE003, lr  }
0x1b: {  	s9 =	sadd.s32 $0xFFFFFEF7, lr;
	s5 =	simm.s32 $0xFFFFFFFF;
	p2 =	slt.u32 s8, $0xFFFFF086  }
0x1c: {  	p1 =	slt.u32 s9, $0xF7A;
	s5 =	simm.s32 @!p2 $0x0  }
0x1d: {  	s5 =	simm.s32 @p1 $0x1;
	p0 =	seq.s32 s7, s2  }
0x1e: {  	s7 =	smul.u32 @!p0 $0xF7A, s2;
	p2 =	seq.s32 @!p0 s5, $0x0  }
0x1f: {  	s9 =	smul.u32 $0xF7A, s1;
	s8 =	simm.s32 @!p0 $0x1BF5;
	p2 =	por !p2, p0  }
0x20: {  	[sflag:s8] =	ssyncset.s32 @!p0 $0xFFFFF086;
	s6 =	sadd.s32 @!p0 s3, s7;
	s7 =	simm.s32 @!p0 $0x108  }
0x21: {  	s3 =	sadd.s32 s3, s9;
	s6 =	sadd.s32 @!p0 $0x88, s6;
	s7 =	simm.s32 @p2 $0x1082  }
0x22: {  	[simem:s7], [sflag:s8] =	dma.local @!p0 [hbm:s6], $0xF7A  }
0x23: {  	s9 =	sor.u32 $0xD0000000, s2;
	s6 =	simm.s32 $0x108;
	_ =	swait.ge @!p0 [sflag:s8], $0x0  }
0x24: {  	s3 =	sadd.s32 $0x88, s3;
	s6 =	simm.s32 @!p1 $0x1082;
	[sflag:s4] =	ssyncset.s32 $0xFFFFF086  }
0x25: {  	[simem:s6], [sflag:s4] =	dma.local [hbm:s3], $0xF7A  }
0x26: {  	[smem:$0x3F99] =	sst s1;
	(tag) =	ssettag s2;
	_ =	strace s9  }
0x27: {  	s1 =	sld [smem:$0x3FA9]  }
0x28: {  	s2 =	sld [smem:$0x3FAA]  }
0x29: {  	s4 =	sld [smem:$0x3FAC]  }
0x2a: {  	p0 =	seq.s32 s5, $0x0;
	s5 =	sld [smem:$0x3FAD]  }
0x2b: {  	s6 =	sld [smem:$0x3FAE]  }
0x2c: {  	s7 =	sld [smem:$0x3FAF]  }
0x2d: {  	s3 =	simm.s32 $0x108;
	s8 =	sld [smem:$0x3FB0]  }
0x2e: {  	s3 =	simm.s32 @!p0 $0x1082;
	s9 =	sld [smem:$0x3FB1]  }
0x2f: {  	lr =	sadd.s32 s0, s3;
	s0 =	sld [smem:$0x3FA8]  }
0x30: {  	s3 =	sld [smem:$0x3FAB]  }
0x31: {  	[smem:$0x3FB4] =	sst s10  }
0x32: {  	s10 =	sld [smem:$0x3FB2];
	_ =	sdelay $0x3  }
0x33: {  	p0 =	seq.s32 s10, $0x1;
	s10 =	sld [smem:$0x3FB4];
	_ =	sdelay $0x3  }
0x34: {  	[smem:$0x3FB4] =	sst s10  }
0x35: {  	s10 =	sld [smem:$0x3FB3];
	_ =	sdelay $0x3  }
0x36: {  	p1 =	seq.s32 s10, $0x1;
	s10 =	sld [smem:$0x3FB4];
	_ =	sdelay $0x3  }
0x37: {  	[smem:$0x3FB4] =	sst s10  }
0x38: {  	s10 =	sld [smem:$0x3FB5]  }
0x39: {  	_ = 	snop;
	(pc) =	sbr.ind lr, $3  }
0x3a: {  	_ = 	snop  }
0x3b: {  	_ = 	snop  }
0x3c: {  	p2 =	seq.s32 s10, $0x1;
	s10 =	sld [smem:$0x3FB4]  }
0x3d: {  	_ =	shalt  }
0x3e: {  	_ =	shalt  }
0x3f: {  	_ =	shalt  }
0x40: {  	_ =	shalt  }
0x41: {  	_ =	shalt  }
0x42: {  	_ =	shalt  }
0x43: {  	_ =	shalt  }
0x44: {  	_ =	shalt  }
0x45: {  	_ =	shalt  }
0x46: {  	_ =	shalt  }
0x47: {  	_ =	shalt  }
0x48: {  	_ =	shalt  }
0x49: {  	_ =	shalt  }
0x4a: {  	_ =	shalt  }
0x4b: {  	_ =	shalt  }
0x4c: {  	_ =	shalt  }
0x4d: {  	_ =	shalt  }
0x4e: {  	_ =	shalt  }
0x4f: {  	_ =	shalt  }
0x50: {  	_ =	shalt  }
0x51: {  	_ =	shalt  }
0x52: {  	_ =	shalt  }
0x53: {  	_ =	shalt  }
0x54: {  	_ =	shalt  }
0x55: {  	_ =	shalt  }
0x56: {  	_ =	shalt  }
0x57: {  	_ =	shalt  }
0x58: {  	_ =	shalt  }
0x59: {  	_ =	shalt  }
0x5a: {  	_ =	shalt  }
0x5b: {  	_ =	shalt  }
0x5c: {  	_ =	shalt  }
0x5d: {  	_ =	shalt  }
0x5e: {  	_ =	shalt  }
0x5f: {  	_ =	shalt  }
0x60: {  	_ =	shalt  }
0x61: {  	_ =	shalt  }
0x62: {  	_ =	shalt  }
0x63: {  	_ =	shalt  }
0x64: {  	_ =	shalt  }
0x65: {  	_ =	shalt  }
0x66: {  	_ =	shalt  }
0x67: {  	_ =	shalt  }
0x68: {  	_ =	shalt  }
0x69: {  	_ =	shalt  }
0x6a: {  	_ =	shalt  }
0x6b: {  	_ =	shalt  }
0x6c: {  	_ =	shalt  }
0x6d: {  	_ =	shalt  }
0x6e: {  	_ =	shalt  }
0x6f: {  	_ =	shalt  }
0x70: {  	_ =	shalt  }
0x71: {  	_ =	shalt  }
0x72: {  	_ =	shalt  }
0x73: {  	_ =	shalt  }
0x74: {  	_ =	shalt  }
0x75: {  	_ =	shalt  }
0x76: {  	_ =	shalt  }
0x77: {  	_ =	shalt  }
0x78: {  	_ =	shalt  }
0x79: {  	_ =	shalt  }
0x7a: {  	_ =	shalt  }
0x7b: {  	_ =	shalt  }
0x7c: {  	_ =	shalt  }
0x7d: {  	_ =	shalt  }
0x7e: {  	_ =	shalt  }
0x7f: {  	_ =	shalt  }
0x80: {  	_ =	shalt  }
0x81: {  	_ =	shalt  }
0x82: {  	_ =	shalt  }
0x83: {  	_ =	shalt  }
0x84: {  	_ =	shalt  }
0x85: {  	_ =	shalt  }
0x86: {  	_ =	shalt  }
0x87: {  	_ =	shalt  }
.Lfunc_end0:
.L_simem_size_0:
called_computation.1_lowered:
.L_overlay_start_0:
0x88: {  	s2 =	sld [smem:$0x3FD9]  }
0x89: {  	s3 =	sld [smem:$0x3FFE];
	_ =	sdelay $0x1  }
0x8a: {  	s1 =	srdreg.scid  }
0x8b: {  	s0 =	sand.u32 $0x1, s1  }
0x8c: {  	s17 =	sshll.u32 s0, $0xA;
	s2 =	sadd.s32 s3, s2  }
0x8d: {  	s2 =	sadd.s32 s2, s17  }
0x8e: {  	[smem:$0x3FC0] =	sst s2  }
0x8f: {  	_ = 	snop  }
0x90: {  	s2 =	sld [smem:$0x3FD0];
	(tm) =	ssettm $0x1  }
0x91: {  	s18 =	sld [smem:$0x3FFB];
	_ =	sdelay $0x3  }
0x92: {  	_ =	strace s18  }
0x93: {  	s3 =	sld [smem:$0x3FFC];
	_ =	sdelay $0x3  }
0x94: {  	_ =	strace s3  }
0x95: {  	s3 =	sld [smem:$0x3FFD];
	_ =	sdelay $0x3  }
0x96: {  	_ =	strace s3  }
0x97: {  	_ =	strace $0x8FFFFFFF  }
0x98: {  	s19 =	sld [smem:$0x3FDB];
	_ =	sdelay $0x1  }
0x99: {  	s4 =	simm.s32 $_scs_section_size  }
0x9a: {  	s5 =	simm.s32 $_size__tile_overlayer_lowered;
	s6 =	simm.s32 $_tile_overlayer_lowered  }
0x9b: {  	s22 =	simm.s32 $0x1BFF;
	s21 =	sshll.u32 s6, $0x1;
	s3 =	sadd.s32 s4, s19  }
0x9c: {  	s7 =	simm.s32 $0x0;
	s20 =	sshll.u32 s5, $0x1;
	s5 =	sadd.s32 s21, s3  }
0x9d: {  	[timem:s7], [sflag:s22] =	dma.local [hbm:s5], s20  }
0x9e: {  	_ =	swait.ge [sflag:s22], s20  }
0x9f: {  	s4 =	ssub.s32 $0x0, s20;
	[sflag:s22] =	ssyncset.done $0x0  }
0xa0: {  	[sflag:s22] =	ssyncadd.s32 s4;
	_ =	sdelay $0x1  }
0xa1: {  	s23 =	simm.s32 $0x1B8B  }
0xa2: {  	_ =	swait.ge [sflag:s23], $0x1  }
0xa3: {  	[sflag:s23] =	ssyncset.done $0x0  }
0xa4: {  	s25 =	simm.s32 $0x1B8E;
	s24 =	sld [smem:$0x3FFE];
	[sflag:s23] =	ssyncadd.s32 $0xFFFFFFFF  }
0xa5: {  	s26 =	simm.s32 $execute0_lowered;
	[smem:$0x3FD2] =	sst s25  }
0xa6: {  	s5 =	sshll.u32 s26, $0x1;
	_ =	strace $0x80000049;
	[dreg:$0x1] =	wrdreg $0xFFFFFFFF  }
0xa7: {  	s28 =	simm.s32 $_size_execute0_lowered;
	s3 =	sadd.s32 s3, s5;
	[dreg:$0x0] =	wrdreg $0x0  }
0xa8: {  	s5 =	sshll.u32 s28, $0x1;
	[dreg:$0x2] =	wrdreg s3  }
0xa9: {  	[dreg:$0x3] =	wrdreg s5  }
0xaa: {  	[dreg:$0x4] =	wrdreg $0xC0  }
0xab: {  	_ =	task [dreg:s7], $0x5FFFF  }
0xac: {  	[dreg:$0x1] =	wrdreg $0xFFFFFFFF  }
0xad: {  	[dreg:$0x0] =	wrdreg $0x60  }
0xae: {  	[dreg:$0x2] =	wrdreg s24  }
0xaf: {  	[dreg:$0x3] =	wrdreg s2  }
0xb0: {  	[dreg:$0x4] =	wrdreg $0x0  }
0xb1: {  	[dreg:$0x5] =	wrdreg $0x9  }
0xb2: {  	_ =	task.clear_ibuf [dreg:s7], $0x6FFFF;
	_ =	strace $0x90000049  }
0xb3: {  	s29 =	simm.s32 $0x9;
	_ =	strace $0x8000004B  }
0xb4: {  	_ =	swait.ge [sflag:s29], $0x1  }
0xb5: {  	[sflag:s29] =	ssyncadd.s32 $0xFFFFFFFF  }
0xb6: {  	_ =	strace $0x9000004B  }
0xb7: {  	_ =	sfence  }
0xb8: {  	s30 =	sld [smem:$0x0];
	_ =	sdelay $0x2  }
0xb9: {  	s31 =	sshll.u32 s1, $0xD;
	s1 =	sshrl.u32 s1, $0x2  }
0xba: {  	s3 =	sand.u32 $0x4000, s31;
	s1 =	sadd.s32 s1, s30  }
0xbb: {  	s0 =	sor.u32 s3, s0;
	s1 =	sshll.u32 s1, $0x11  }
0xbc: {  	s0 =	sor.u32 s1, s0  }
0xbd: {  	s0 =	sadd.s32 $0x8F2B, s0  }
0xbe: {  	[sflag:s0] =	ssyncadd.remote.s32 $0x1  }
0xbf: {  	_ =	sfence.sel $0xFFFF  }
0xc0: {  	[dreg:$0x0] =	wrdreg $0xFFFFFFFF;
	(pc) =	sbr.abs _section_cstart, $3  }
0xc1: {  	[dreg:$0x1] =	wrdreg $0xFFFFFFFF  }
0xc2: {  	_ =	task.clear_ibuf [dreg:s7], $0x2FFFF;
	_ =	strace $0x9FFFFFFF  }
0xc3: {  	(tm) =	ssettm $0x7FFFFFFF  }
tec
execute0_lowered:
.L_overlay_start_1:
0x0: {  	(tag) =	ssettag $0x1  }
0x1: {  	s6 =	rddreg [dreg:$0x0]  }
0x2: {  	s9 =	rddreg [dreg:$0x1]  }
0x3: {  	s0 =	srdreg.scid;
	s2 =	rddreg [dreg:$0x2]  }
0x4: {  	s1 =	rddreg [dreg:$0x3];
	s7 =	sand.u32 $0x1, s0  }
0x5: {  	s3 =	simm.s32 $0x0;
	s0 =	stileid.u32;
	s4 =	smul.u32 $0x27100, s7  }
0x6: {  	s15 =	simm.s32 $0x50;
	s16 =	simm.s32 $0x14100;
	s5 =	smul.u32 $0x2710, s0  }
0x7: {  	s17 =	simm.s32 $0x1;
	[smem:$0x7FF] =	sst s3;
	s8 =	smul.u32 $0x140000, s7  }
0x8: {  	s18 =	simm.s32 $0x0;
	s10 =	smul.u32 $0x14000, s0;
	_ =	strace $0x8000004A  }
0x9: {  	s12 =	smul.u32 $0x50000, s0;
	s31 =	ssub.s32 $0x2, s7;
	s13 =	sshll.u32 s0, $0x6  }
0xa: {  	s7 =	sshrl.u32 s31, $0x1;
	s5 =	sadd.s32 s5, s4;
	s4 =	sadd.s32 $0xC400, s6  }
0xb: {  	s29 =	sadd.s32 s10, s8;
	s12 =	sshrl.u32 s12, $0x2;
	s14 =	ssub.s32 s31, s7  }
0xc: {  	s11 =	sshrl.u32 s5, $0x3;
	s8 =	sshrl.u32 s29, $0x3;
	s5 =	sadd.s32 $0x34600, s6  }
0xd: {  	s12 =	sadd.s32 s12, s2;
	s30 =	sadd.s32 s11, s6;
	s8 =	sadd.s32 s8, s6  }
0xe: {  	s6 =	sor.u32 $0x1C02, s13;
	s9 =	sadd.s32 s11, s9;
	s11 =	sshrl.u32 s12, $0x3  }
0xf: {  	s12 =	simm.s32 $0x2;
	s13 =	simm.s32 $0x14000;
	s7 =	sadd.s32 $0x36E00, s8  }
0x10: {  	s8 =	smax.u32 s14, $0x1;
	s10 =	sadd.s32 $0x2600, s30;
	s14 =	simm.s32 $0x14080  }
.LBB2_1:
0x11: {  	[spmem:s11], [sflag:s6] =	dma.local [hbm:s5], $0x2800  }
0x12: {  	_ =	swait.ge [sflag:s12], $0x2800  }
0x13: {  	[sflag:s12] =	ssyncset.done $0x0  }
0x14: {  	[sflag:s12] =	ssyncadd.s32 $0xFFFFD800  }
0x15: {  	s19 =	sadd.s32 $0x0, s10;
	[bflag:$0x0] =	sbarrier.arrive $0xFFFF  }
0x16: {  	[tilespmem:s13], [sflag:$0x2] =	stream.linear.gather [hbm4b:s19+s3], $0x50, $0x38;
	[tilespmem:$0x16900] =	vst v63  }
0x17: {  	_ =	swait.ge [sflag:s12], $0x50  }
0x18: {  	[sflag:s12] =	ssyncset.done $0x0  }
0x19: {  	s31 =	sadd.s32 $0x0, s9;
	[sflag:s12] =	ssyncadd.s32 $0xFFFFFFB0  }
0x1a: {  	[tilespmem:s14], [sflag:$0x2] =	stream.linear.gather [hbm4b:s31+s3], $0x50, $0x38;
	[tilespmem:$0x16900] =	vst v63  }
0x1b: {  	_ =	swait.ge [sflag:s12], $0x50  }
0x1c: {  	[sflag:s12] =	ssyncset.done $0x0  }
0x1d: {  	[sflag:s12] =	ssyncadd.s32 $0xFFFFFFB0  }
0x1e: {  	[tilespmem:s16], [sflag:$0x1] =	stream.indirect.gather [hbm4b:s4+s15], $0x80, s13, s15, $0xb8;
	[tilespmem:$0x16900] =	vst v63  }
0x1f: {  	_ =	swait.ge [sflag:s17], $0x2800  }
0x20: {  	[sflag:s17] =	ssyncset.done $0x0  }
0x21: {  	[sflag:s17] =	ssyncadd.s32 $0xFFFFD800  }
0x22: {  	[spmem:s2] =	stream.indirect.scatter.add.f32 [tilespmem:s16], [sflag:$0x2], $0x80, s14, s15, $0xb8;
	[tilespmem:$0x16900] =	vst v63  }
0x23: {  	_ =	swait.ge [sflag:s12], $0x2800  }
0x24: {  	s20 =	simm.s32 $0x14;
	s19 =	simm.s32 $0xA;
	[sflag:s12] =	ssyncset.done $0x0  }
.LBB2_2:
0x25: {  	s21 =	sadd.s32 s19, s10  }
0x26: {  	[sflag:s12] =	ssyncadd.s32 $0xFFFFD800;
	s22 =	smov.u32 s20;
	s23 =	sadd.s32 $0xA, s20  }
0x27: {  	[tilespmem:s13], [sflag:$0x2] =	stream.linear.gather [hbm4b:s21+s3], $0x50, $0x38;
	[tilespmem:$0x16900] =	vst v63  }
0x28: {  	p0 =	sne.s32 s20, $0x4D8;
	_ =	swait.ge [sflag:s12], $0x50  }
0x29: {  	[sflag:s12] =	ssyncset.done $0x0  }
0x2a: {  	s20 =	sadd.s32 s19, s9;
	s19 =	smov.u32 s22;
	[sflag:s12] =	ssyncadd.s32 $0xFFFFFFB0  }
0x2b: {  	[tilespmem:s14], [sflag:$0x2] =	stream.linear.gather [hbm4b:s20+s3], $0x50, $0x38;
	[tilespmem:$0x16900] =	vst v63  }
0x2c: {  	_ =	swait.ge [sflag:s12], $0x50  }
0x2d: {  	[sflag:s12] =	ssyncset.done $0x0  }
0x2e: {  	[sflag:s12] =	ssyncadd.s32 $0xFFFFFFB0  }
0x2f: {  	[tilespmem:s16], [sflag:$0x1] =	stream.indirect.gather [hbm4b:s4+s15], $0x80, s13, s15, $0xb8;
	[tilespmem:$0x16900] =	vst v63  }
0x30: {  	_ =	swait.ge [sflag:s17], $0x2800  }
.Ltmp0:
0x31: {  	[sflag:s17] =	ssyncset.done $0x0;
	(pc) =	sbr.rel @p0 .LBB2_2-.Ltmp0, $4  }
0x32: {  	[sflag:s17] =	ssyncadd.s32 $0xFFFFD800  }
0x33: {  	[spmem:s2] =	stream.indirect.scatter.add.f32 [tilespmem:s16], [sflag:$0x2], $0x80, s14, s15, $0xb8;
	[tilespmem:$0x16900] =	vst v63  }
0x34: {  	_ =	swait.ge [sflag:s12], $0x2800  }
0x35: {  	s20 =	smov.u32 s23;
	[sflag:s12] =	ssyncset.done $0x0  }
0x36: {  	s20 =	sadd.s32 s19, s10;
	[sflag:s12] =	ssyncadd.s32 $0xFFFFD800  }
0x37: {  	[tilespmem:s13], [sflag:$0x2] =	stream.linear.gather [hbm4b:s20+s3], $0x50, $0x38;
	[tilespmem:$0x16900] =	vst v63  }
0x38: {  	_ =	swait.ge [sflag:s12], $0x50  }
0x39: {  	[sflag:s12] =	ssyncset.done $0x0  }
0x3a: {  	s31 =	sadd.s32 s19, s9;
	[sflag:s12] =	ssyncadd.s32 $0xFFFFFFB0  }
0x3b: {  	[tilespmem:s14], [sflag:$0x2] =	stream.linear.gather [hbm4b:s31+s3], $0x50, $0x38;
	[tilespmem:$0x16900] =	vst v63  }
0x3c: {  	_ =	swait.ge [sflag:s12], $0x50  }
0x3d: {  	[sflag:s12] =	ssyncset.done $0x0  }
0x3e: {  	[sflag:s12] =	ssyncadd.s32 $0xFFFFFFB0  }
0x3f: {  	[tilespmem:s16], [sflag:$0x1] =	stream.indirect.gather [hbm4b:s4+s15], $0x80, s13, s15, $0xb8;
	[tilespmem:$0x16900] =	vst v63  }
0x40: {  	_ =	swait.ge [sflag:s17], $0x2800  }
0x41: {  	[sflag:s17] =	ssyncset.done $0x0  }
0x42: {  	[sflag:s17] =	ssyncadd.s32 $0xFFFFD800  }
0x43: {  	[spmem:s2] =	stream.indirect.scatter.add.f32 [tilespmem:s16], [sflag:$0x2], $0x80, s14, s15, $0xb8;
	[tilespmem:$0x16900] =	vst v63  }
0x44: {  	_ =	swait.ge [sflag:s12], $0x2800  }
0x45: {  	s18 =	sadd.s32 $0x1, s18;
	[sflag:s12] =	ssyncset.done $0x0  }
0x46: {  	p0 =	sne.s32 s18, s8;
	[sflag:s12] =	ssyncadd.s32 $0xFFFFD800  }
.Ltmp1:
0x47: {  	[bflag:$0x0] =	sbarrier.arrive $0xFFFF;
	(pc) =	sbr.rel @p0 .LBB2_1-.Ltmp1, $4  }
0x48: {  	[hbm:s7], [sflag:s6] =	dma.local [spmem:s11], $0x2800  }
0x49: {  	_ =	swait.ge [sflag:s12], $0x2800  }
0x4a: {  	[sflag:s12] =	ssyncset.done $0x0  }
0x4b: {  	[sflag:s12] =	ssyncadd.s32 $0xFFFFD800  }
0x4c: {  	_ =	sfence.sel $0x180000  }
0x4d: {  	[bflag:$0x0] =	sbarrier.arrive $0xFFFF  }
0x4e: {  	p0 =	sne.s32 s0, $0x0;
	_ =	strace $0x9000004A  }
0x4f: {  	s0 =	sadd.s32 @!p0 $0x100000, s1;
	[bflag:$0x2] =	sbarrier.arrive $0xFFFF  }
0x50: {  	[sflag:s0] =	ssyncadd.tile.s32 @!p0 $0x1;
	_ =	shalt  }
.Lfunc_end2:
_tile_overlayer_lowered:
.L_overlay_start_2:
0x51: {  	(tag) =	ssettag $0x2  }
0x52: {  	s0 =	rddreg [dreg:$0x0];
	s2 =	stileid.u32  }
0x53: {  	s1 =	rddreg [dreg:$0x1];
	p0 =	sne.s32 s2, $0x0  }
0x54: {  	s3 =	rddreg [dreg:$0x2];
	[bflag:$0x3] =	sbarrier.arrive $0xFFFF;
	s2 =	simm.s32 @!p0 $0x1C02  }
0x55: {  	[timem:s3], [sflag:s2] =	dma.local @!p0 [hbm:s0], s1  }
0x56: {  	s0 =	simm.s32 @!p0 $0x2  }
0x57: {  	_ =	swait.ge @!p0 [sflag:s0], s1  }
0x58: {  	s1 =	ssub.s32 @!p0 $0x0, s1;
	[sflag:s0] =	ssyncset.done @!p0 $0x0  }
0x59: {  	[sflag:s0] =	ssyncadd.s32 @!p0 s1  }
0x5a: {  	[bflag:$0x3] =	sbarrier.arrive $0xFFFF  }
0x5b: {  	_ =	shalt  }

</sc_bundles>
